<compile_context>
chip_gen: v7x
topology: tpu7x:2x2x1
jax: 0.10.2.dev20260603
libtpu: 0.0.44.dev20260713+nightly
codegen_flags: <defaults>
</compile_context>

<pallas_src>
import functools

import jax
import jax.numpy as jnp
from jax import lax
from jax.experimental import pallas as pl
from jax.experimental.pallas import tpu as pltpu
from jax.experimental.pallas import tpu_sc as plsc

NC = 2
NS = 16
NW = NC * NS
K = 80
CW = 16
NP = 10240


def _sc_mesh():
    return plsc.VectorSubcoreMesh(core_axis_name="c", subcore_axis_name="s")


def _sc_degree(dst_grp, ones_rows, zeros_cnt):
    nchunks = dst_grp.shape[1]
    rpt = NP // NS

    @functools.partial(
        pl.kernel,
        mesh=_sc_mesh(),
        out_type=jax.ShapeDtypeStruct((NC, NP, CW), jnp.float32),
        scratch_types=[
            pltpu.VMEM((nchunks, K), jnp.int32),
            pltpu.VMEM((K, CW), jnp.float32),
            pltpu.VMEM_SHARED((NP, CW), jnp.float32),
        ],
    )
    def kern(dst_hbm, ones_hbm, zeros_hbm, out_hbm, dst_v, ones_v, cnt_sh):
        cid = lax.axis_index("c")
        sid = lax.axis_index("s")
        wid = cid * NS + sid
        pltpu.sync_copy(dst_hbm.at[wid], dst_v)
        pltpu.sync_copy(ones_hbm, ones_v)
        pltpu.sync_copy(zeros_hbm, cnt_sh.at[pl.ds(sid * rpt, rpt)])
        plsc.subcore_barrier()

        def body(j, carry):
            pltpu.sync_copy(ones_v, cnt_sh.at[dst_v.at[j]], add=True)
            return carry

        lax.fori_loop(0, nchunks, body, 0)
        plsc.subcore_barrier()
        pltpu.sync_copy(cnt_sh.at[pl.ds(sid * rpt, rpt)],
                        out_hbm.at[cid, pl.ds(sid * rpt, rpt)])

    return kern(dst_grp, ones_rows, zeros_cnt)


def _sc_edge_agg(y, src_grp, dst_grp, zeros_rows):
    n, d = y.shape
    nchunks = src_grp.shape[1]
    rpt = NP // NS

    @functools.partial(
        pl.kernel,
        mesh=_sc_mesh(),
        out_type=jax.ShapeDtypeStruct((NC, NP, d), jnp.float32),
        scratch_types=[
            pltpu.VMEM((nchunks, K), jnp.int32),
            pltpu.VMEM((nchunks, K), jnp.int32),
            pltpu.VMEM((K, d), jnp.float32),
            pltpu.VMEM_SHARED((NP, d), jnp.float32),
            pltpu.SemaphoreType.DMA,
        ],
    )
    def kern(y_hbm, src_hbm, dst_hbm, zeros_hbm, out_hbm,
             src_v, dst_v, rows_v, agg_sh, sem):
        cid = lax.axis_index("c")
        sid = lax.axis_index("s")
        wid = cid * NS + sid
        pltpu.sync_copy(src_hbm.at[wid], src_v)
        pltpu.sync_copy(dst_hbm.at[wid], dst_v)
        pltpu.sync_copy(zeros_hbm, agg_sh.at[pl.ds(sid * rpt, rpt)])
        plsc.subcore_barrier()

        def body(j, carry):
            pltpu.async_copy(y_hbm.at[src_v.at[j]], rows_v, sem).wait()
            pltpu.sync_copy(rows_v, agg_sh.at[dst_v.at[j]], add=True)
            return carry

        lax.fori_loop(0, nchunks, body, 0)
        plsc.subcore_barrier()
        pltpu.sync_copy(agg_sh.at[pl.ds(sid * rpt, rpt)],
                        out_hbm.at[cid, pl.ds(sid * rpt, rpt)])

    return kern(y, src_grp, dst_grp, zeros_rows)


def _tc_matmul(x, W):
    n, f = x.shape
    h = W.shape[1]
    R = 1000

    def body(x_ref, w_ref, o_ref):
        o_ref[...] = jnp.dot(x_ref[...], w_ref[...],
                             preferred_element_type=jnp.float32)

    return pl.pallas_call(
        body,
        grid=(n // R,),
        in_specs=[pl.BlockSpec((R, f), lambda i: (i, 0)),
                  pl.BlockSpec((f, h), lambda i: (0, 0))],
        out_specs=pl.BlockSpec((R, h), lambda i: (i, 0)),
        out_shape=jax.ShapeDtypeStruct((n, h), jnp.float32),
    )(x, W)


def _tc_prep(degp, xw1):
    n, h = xw1.shape
    R = 1000

    def body(deg_ref, xw_ref, y_ref, dinv_ref):
        dtot = deg_ref[0, :, 0:1] + deg_ref[1, :, 0:1] + 1.0
        dv = lax.rsqrt(dtot)
        dinv_ref[...] = dv
        y_ref[...] = xw_ref[...] * dv

    return pl.pallas_call(
        body,
        grid=(n // R,),
        in_specs=[pl.BlockSpec((NC, R, CW), lambda i: (0, i, 0)),
                  pl.BlockSpec((R, h), lambda i: (i, 0))],
        out_specs=[pl.BlockSpec((R, h), lambda i: (i, 0)),
                   pl.BlockSpec((R, 1), lambda i: (i, 0))],
        out_shape=[jax.ShapeDtypeStruct((n, h), jnp.float32),
                   jax.ShapeDtypeStruct((n, 1), jnp.float32)],
    )(degp, xw1)


def _tc_mid(s1, y1, dinv, b1, W2):
    n, h = y1.shape
    R = 1000

    def body(s_ref, y_ref, dv_ref, b_ref, w_ref, h1_ref, y2_ref):
        dv = dv_ref[...]
        agg = dv * (s_ref[0] + s_ref[1] + y_ref[...]) + b_ref[...]
        h1 = jnp.maximum(agg, 0.0)
        h1_ref[...] = h1
        y2_ref[...] = jnp.dot(h1, w_ref[...],
                              preferred_element_type=jnp.float32) * dv

    return pl.pallas_call(
        body,
        grid=(n // R,),
        in_specs=[pl.BlockSpec((NC, R, h), lambda i: (0, i, 0)),
                  pl.BlockSpec((R, h), lambda i: (i, 0)),
                  pl.BlockSpec((R, 1), lambda i: (i, 0)),
                  pl.BlockSpec((1, h), lambda i: (0, 0)),
                  pl.BlockSpec((h, h), lambda i: (0, 0))],
        out_specs=[pl.BlockSpec((R, h), lambda i: (i, 0)),
                   pl.BlockSpec((R, h), lambda i: (i, 0))],
        out_shape=[jax.ShapeDtypeStruct((n, h), jnp.float32),
                   jax.ShapeDtypeStruct((n, h), jnp.float32)],
    )(s1, y1, dinv, b1, W2)


def _tc_final(s2, y2, h1, dinv, b2, gamma, beta, hprev, W_ih, W_hh, bih, bhh):
    n, h = h1.shape
    h3 = W_ih.shape[0]
    R = 1000

    def body(s_ref, y_ref, h1_ref, dv_ref, b2_ref, g_ref, be_ref, hp_ref,
             wih_ref, whh_ref, bih_ref, bhh_ref, out_ref):
        dv = dv_ref[...]
        agg = dv * (s_ref[0] + s_ref[1] + y_ref[...]) + b2_ref[...]
        h2 = h1_ref[...] + jnp.maximum(agg, 0.0)
        mu = jnp.mean(h2, axis=-1, keepdims=True)
        var = jnp.mean((h2 - mu) ** 2, axis=-1, keepdims=True)
        hln = (h2 - mu) * lax.rsqrt(var + 1e-5) * g_ref[...] + be_ref[...]
        hprev_b = hp_ref[...]
        gi = lax.dot_general(hln, wih_ref[...], (((1,), (1,)), ((), ())),
                             preferred_element_type=jnp.float32) + bih_ref[...]
        gh = lax.dot_general(hprev_b, whh_ref[...], (((1,), (1,)), ((), ())),
                             preferred_element_type=jnp.float32) + bhh_ref[...]
        r = jax.nn.sigmoid(gi[:, :h] + gh[:, :h])
        z = jax.nn.sigmoid(gi[:, h:2 * h] + gh[:, h:2 * h])
        nn_ = jnp.tanh(gi[:, 2 * h:] + r * gh[:, 2 * h:])
        out_ref[...] = (1.0 - z) * nn_ + z * hprev_b

    return pl.pallas_call(
        body,
        grid=(n // R,),
        in_specs=[pl.BlockSpec((NC, R, h), lambda i: (0, i, 0)),
                  pl.BlockSpec((R, h), lambda i: (i, 0)),
                  pl.BlockSpec((R, h), lambda i: (i, 0)),
                  pl.BlockSpec((R, 1), lambda i: (i, 0)),
                  pl.BlockSpec((1, h), lambda i: (0, 0)),
                  pl.BlockSpec((1, h), lambda i: (0, 0)),
                  pl.BlockSpec((1, h), lambda i: (0, 0)),
                  pl.BlockSpec((R, h), lambda i: (i, 0)),
                  pl.BlockSpec((h3, h), lambda i: (0, 0)),
                  pl.BlockSpec((h3, h), lambda i: (0, 0)),
                  pl.BlockSpec((1, h3), lambda i: (0, 0)),
                  pl.BlockSpec((1, h3), lambda i: (0, 0))],
        out_specs=pl.BlockSpec((R, h), lambda i: (i, 0)),
        out_shape=jax.ShapeDtypeStruct((n, h), jnp.float32),
    )(s2, y2, h1, dinv, b2, gamma, beta, hprev, W_ih, W_hh, bih, bhh)


def kernel(x, edge_index, hidden_state, W1, b1, W2, b2,
           ln_gamma, ln_beta, W_ih, W_hh, b_ih, b_hh):
    n = x.shape[0]
    hdim = W1.shape[1]
    e = edge_index.shape[1]
    nchunks = e // (NW * K)

    src_grp = edge_index[0].reshape(NW, nchunks, K)
    dst_grp = edge_index[1].reshape(NW, nchunks, K)
    dst_deg = dst_grp

    ones_rows = jnp.concatenate(
        [jnp.ones((K, 1), jnp.float32), jnp.zeros((K, CW - 1), jnp.float32)],
        axis=1)
    zeros_cnt = jnp.zeros((NP // NS, CW), jnp.float32)
    zeros_rows = jnp.zeros((NP // NS, hdim), jnp.float32)

    degp = _sc_degree(dst_deg, ones_rows, zeros_cnt)
    xw1 = _tc_matmul(x, W1)
    y1, dinv = _tc_prep(degp, xw1)
    s1 = _sc_edge_agg(y1, src_grp, dst_grp, zeros_rows)
    h1, y2 = _tc_mid(s1, y1, dinv, b1.reshape(1, hdim), W2)
    s2 = _sc_edge_agg(y2, src_grp, dst_grp, zeros_rows)
    hnew = _tc_final(s2, y2, h1, dinv, b2.reshape(1, hdim),
                     ln_gamma.reshape(1, hdim), ln_beta.reshape(1, hdim),
                     hidden_state[0], W_ih, W_hh,
                     b_ih.reshape(1, -1), b_hh.reshape(1, -1))
    return hnew, hnew[None, :, :]

# --- scband reference (transcript-rebuilt; emitter-appended) ---
"""Pipeline reference for scband-spatio-temporal-gnn-30580167147641 (READ-ONLY COPY).

The authoritative reference and input builder live on the scoring server;
editing this copy changes nothing except your own understanding.
"""

import jax, jax.numpy as jnp
import numpy as np

N_NODES = 10000
E_EDGES = 320000
F_IN = 128
H = 128


def _gcn_conv(x, src, dst, W, b, n):
    # PyG-style GCNConv: x' = D^{-1/2} (A+I) D^{-1/2} x W + b
    # src/dst already include self-loops
    xw = x @ W
    deg = jnp.zeros((n,), dtype=xw.dtype).at[dst].add(1.0)
    dinv = jnp.where(deg > 0, jax.lax.rsqrt(deg), 0.0)
    norm = dinv[src] * dinv[dst]
    agg = jnp.zeros((n, W.shape[1]), dtype=xw.dtype).at[dst].add(xw[src] * norm[:, None])
    return agg + b


def setup_inputs(seed: int = 0):
    key = jax.random.key(seed)
    ks = jax.random.split(key, 12)
    x = jax.random.normal(ks[0], (N_NODES, F_IN), dtype=jnp.float32)
    edge_index = jax.random.randint(ks[1], (2, E_EDGES), 0, N_NODES, dtype=jnp.int32)
    hidden_state = jax.random.normal(ks[2], (1, N_NODES, H), dtype=jnp.float32)
    s1 = 1.0 / np.sqrt(F_IN)
    W1 = jax.random.uniform(ks[3], (F_IN, H), minval=-s1, maxval=s1, dtype=jnp.float32)
    b1 = jax.random.uniform(ks[4], (H,), minval=-s1, maxval=s1, dtype=jnp.float32)
    s2 = 1.0 / np.sqrt(H)
    W2 = jax.random.uniform(ks[5], (H, H), minval=-s2, maxval=s2, dtype=jnp.float32)
    b2 = jax.random.uniform(ks[6], (H,), minval=-s2, maxval=s2, dtype=jnp.float32)
    ln_gamma = jnp.ones((H,), dtype=jnp.float32)
    ln_beta = jnp.zeros((H,), dtype=jnp.float32)
    sg = 1.0 / np.sqrt(H)
    W_ih = jax.random.uniform(ks[7], (3 * H, H), minval=-sg, maxval=sg, dtype=jnp.float32)
    W_hh = jax.random.uniform(ks[8], (3 * H, H), minval=-sg, maxval=sg, dtype=jnp.float32)
    b_ih = jax.random.uniform(ks[9], (3 * H,), minval=-sg, maxval=sg, dtype=jnp.float32)
    b_hh = jax.random.uniform(ks[10], (3 * H,), minval=-sg, maxval=sg, dtype=jnp.float32)
    return {"x": x, "edge_index": edge_index, "hidden_state": hidden_state,
            "W1": W1, "b1": b1, "W2": W2, "b2": b2,
            "ln_gamma": ln_gamma, "ln_beta": ln_beta,
            "W_ih": W_ih, "W_hh": W_hh, "b_ih": b_ih, "b_hh": b_hh}


def reference(x, edge_index, hidden_state, W1, b1, W2, b2, ln_gamma, ln_beta, W_ih, W_hh, b_ih, b_hh):
    n = x.shape[0]
    loop = jnp.arange(n, dtype=edge_index.dtype)
    src = jnp.concatenate([edge_index[0], loop])
    dst = jnp.concatenate([edge_index[1], loop])
    h = jax.nn.relu(_gcn_conv(x, src, dst, W1, b1, n))
    h = h + jax.nn.relu(_gcn_conv(h, src, dst, W2, b2, n))
    mu = jnp.mean(h, axis=-1, keepdims=True)
    var = jnp.mean((h - mu) ** 2, axis=-1, keepdims=True)
    h = (h - mu) / jnp.sqrt(var + 1e-5) * ln_gamma + ln_beta
    # single-step GRU (batch_first, seq_len=1), PyTorch gate order r, z, n
    hprev = hidden_state[0]
    gi = h @ W_ih.T + b_ih
    gh = hprev @ W_hh.T + b_hh
    i_r, i_z, i_n = jnp.split(gi, 3, axis=-1)
    h_r, h_z, h_n = jnp.split(gh, 3, axis=-1)
    r = jax.nn.sigmoid(i_r + h_r)
    z = jax.nn.sigmoid(i_z + h_z)
    nn_ = jnp.tanh(i_n + r * h_n)
    hnew = (1.0 - z) * nn_ + z * hprev
    features = hnew
    new_hidden = hnew[None, :, :]
    return (features, new_hidden)

if __name__ == "__main__":
    import jax
    _d = setup_inputs()
    print(jax.jit(kernel)(*tuple(_d.values())))

</pallas_src>

<mosaic_0001>
#map = affine_map<(d0, d1) -> (0, 0)>
#map1 = affine_map<(d0, d1) -> (0, 0, 0)>
module attributes {stable_mosaic.version = 14 : i64} {
  func.func @kern(%arg0: i32, %arg1: i32, %arg2: memref<10000x128xf32, #tpu.memory_space<hbm>>, %arg3: memref<32x125x80xi32, #tpu.memory_space<hbm>>, %arg4: memref<32x125x80xi32, #tpu.memory_space<hbm>>, %arg5: memref<640x128xf32, #tpu.memory_space<hbm>>, %arg6: memref<2x10240x128xf32, #tpu.memory_space<hbm>>, %arg7: memref<125x80xi32, #tpu.memory_space<vmem>>, %arg8: memref<125x80xi32, #tpu.memory_space<vmem>>, %arg9: memref<80x128xf32, #tpu.memory_space<vmem>>, %arg10: memref<10240x128xf32, #tpu.memory_space<vmem_shared>>, %arg11: memref<!tpu.dma_semaphore, #tpu.memory_space<semaphore_mem>>) attributes {dimension_semantics = [#tpu.dimension_semantics<core_parallel>, #tpu.dimension_semantics<subcore_parallel>], iteration_bounds = array<i64: 2, 16>, scalar_prefetch = 0 : i64, scratch_operands = 5 : i64, tpu.core_type = #tpu.core_type<sc_vector_subcore>, window_params = [{transform_indices = #map}, {transform_indices = #map1}, {transform_indices = #map1}, {transform_indices = #map}, {transform_indices = #map1}]} {
    %mul3A = arith.constant 16 : i32
    %mul3A_0 = arith.muli %arg0, %mul3A : i32
    %add3A = arith.addi %mul3A_0, %arg1 : i32
    "tpu.region"() ({
      %run_scoped3A = tpu.sem_alloc : memref<!tpu.dma_semaphore, #tpu.memory_space<semaphore_mem>>
      %dma_start3A = arith.constant 0 : i32
      %dma_start3A_13 = arith.constant 0 : i32
      %dma_start3A_14 = tpu.memref_slice %arg3[%add3A, %dma_start3A, %dma_start3A_13] : memref<32x125x80xi32, #tpu.memory_space<hbm>> -> memref<1x125x80xi32, #tpu.memory_space<hbm>>
      %dma_start3A_15 = tpu.memref_squeeze %dma_start3A_14 : memref<1x125x80xi32, #tpu.memory_space<hbm>> -> memref<125x80xi32, #tpu.memory_space<hbm>>
      %dma_start3A_16 = arith.constant 0 : i32
      %dma_start3A_17 = arith.constant 0 : i32
      %dma_start3A_18 = tpu.memref_slice %arg3[%add3A, %dma_start3A_16, %dma_start3A_17] : memref<32x125x80xi32, #tpu.memory_space<hbm>> -> memref<1x125x80xi32, #tpu.memory_space<hbm>>
      %dma_start3A_19 = tpu.memref_squeeze %dma_start3A_18 : memref<1x125x80xi32, #tpu.memory_space<hbm>> -> memref<125x80xi32, #tpu.memory_space<hbm>>
      tpu.enqueue_dma source(%dma_start3A_19 : memref<125x80xi32, #tpu.memory_space<hbm>>) target(%arg7 : memref<125x80xi32, #tpu.memory_space<vmem>>) target_semaphore(%run_scoped3A : memref<!tpu.dma_semaphore, #tpu.memory_space<semaphore_mem>>)
      %dma_wait3A = arith.constant 0 : i32
      %dma_wait3A_20 = arith.constant 0 : i32
      %dma_wait3A_21 = tpu.memref_slice %arg3[%add3A, %dma_wait3A, %dma_wait3A_20] : memref<32x125x80xi32, #tpu.memory_space<hbm>> -> memref<1x125x80xi32, #tpu.memory_space<hbm>>
      %dma_wait3A_22 = tpu.memref_squeeze %dma_wait3A_21 : memref<1x125x80xi32, #tpu.memory_space<hbm>> -> memref<125x80xi32, #tpu.memory_space<hbm>>
      %dma_wait3A_23 = arith.constant 0 : i32
      %dma_wait3A_24 = arith.constant 0 : i32
      %dma_wait3A_25 = tpu.memref_slice %arg3[%add3A, %dma_wait3A_23, %dma_wait3A_24] : memref<32x125x80xi32, #tpu.memory_space<hbm>> -> memref<1x125x80xi32, #tpu.memory_space<hbm>>
      %dma_wait3A_26 = tpu.memref_squeeze %dma_wait3A_25 : memref<1x125x80xi32, #tpu.memory_space<hbm>> -> memref<125x80xi32, #tpu.memory_space<hbm>>
      tpu.wait_dma2 semaphore(%run_scoped3A : memref<!tpu.dma_semaphore, #tpu.memory_space<semaphore_mem>>) src(%dma_wait3A_26 : memref<125x80xi32, #tpu.memory_space<hbm>>) dst(%arg7 : memref<125x80xi32, #tpu.memory_space<vmem>>)
      tpu.yield
    }) : () -> ()
    "tpu.region"() ({
      %run_scoped3A = tpu.sem_alloc : memref<!tpu.dma_semaphore, #tpu.memory_space<semaphore_mem>>
      %dma_start3A = arith.constant 0 : i32
      %dma_start3A_13 = arith.constant 0 : i32
      %dma_start3A_14 = tpu.memref_slice %arg4[%add3A, %dma_start3A, %dma_start3A_13] : memref<32x125x80xi32, #tpu.memory_space<hbm>> -> memref<1x125x80xi32, #tpu.memory_space<hbm>>
      %dma_start3A_15 = tpu.memref_squeeze %dma_start3A_14 : memref<1x125x80xi32, #tpu.memory_space<hbm>> -> memref<125x80xi32, #tpu.memory_space<hbm>>
      %dma_start3A_16 = arith.constant 0 : i32
      %dma_start3A_17 = arith.constant 0 : i32
      %dma_start3A_18 = tpu.memref_slice %arg4[%add3A, %dma_start3A_16, %dma_start3A_17] : memref<32x125x80xi32, #tpu.memory_space<hbm>> -> memref<1x125x80xi32, #tpu.memory_space<hbm>>
      %dma_start3A_19 = tpu.memref_squeeze %dma_start3A_18 : memref<1x125x80xi32, #tpu.memory_space<hbm>> -> memref<125x80xi32, #tpu.memory_space<hbm>>
      tpu.enqueue_dma source(%dma_start3A_19 : memref<125x80xi32, #tpu.memory_space<hbm>>) target(%arg8 : memref<125x80xi32, #tpu.memory_space<vmem>>) target_semaphore(%run_scoped3A : memref<!tpu.dma_semaphore, #tpu.memory_space<semaphore_mem>>)
      %dma_wait3A = arith.constant 0 : i32
      %dma_wait3A_20 = arith.constant 0 : i32
      %dma_wait3A_21 = tpu.memref_slice %arg4[%add3A, %dma_wait3A, %dma_wait3A_20] : memref<32x125x80xi32, #tpu.memory_space<hbm>> -> memref<1x125x80xi32, #tpu.memory_space<hbm>>
      %dma_wait3A_22 = tpu.memref_squeeze %dma_wait3A_21 : memref<1x125x80xi32, #tpu.memory_space<hbm>> -> memref<125x80xi32, #tpu.memory_space<hbm>>
      %dma_wait3A_23 = arith.constant 0 : i32
      %dma_wait3A_24 = arith.constant 0 : i32
      %dma_wait3A_25 = tpu.memref_slice %arg4[%add3A, %dma_wait3A_23, %dma_wait3A_24] : memref<32x125x80xi32, #tpu.memory_space<hbm>> -> memref<1x125x80xi32, #tpu.memory_space<hbm>>
      %dma_wait3A_26 = tpu.memref_squeeze %dma_wait3A_25 : memref<1x125x80xi32, #tpu.memory_space<hbm>> -> memref<125x80xi32, #tpu.memory_space<hbm>>
      tpu.wait_dma2 semaphore(%run_scoped3A : memref<!tpu.dma_semaphore, #tpu.memory_space<semaphore_mem>>) src(%dma_wait3A_26 : memref<125x80xi32, #tpu.memory_space<hbm>>) dst(%arg8 : memref<125x80xi32, #tpu.memory_space<vmem>>)
      tpu.yield
    }) : () -> ()
    %mul3A_1 = arith.constant 640 : i32
    %mul3A_2 = arith.muli %arg1, %mul3A_1 : i32
    "tpu.region"() ({
      %run_scoped3A = tpu.sem_alloc : memref<!tpu.dma_semaphore, #tpu.memory_space<semaphore_mem>>
      %dma_start3A = arith.constant 0 : i32
      %dma_start3A_13 = tpu.memref_slice %arg10[%mul3A_2, %dma_start3A] : memref<10240x128xf32, #tpu.memory_space<vmem_shared>> -> memref<640x128xf32, #tpu.memory_space<vmem_shared>>
      tpu.enqueue_dma source(%arg5 : memref<640x128xf32, #tpu.memory_space<hbm>>) target(%dma_start3A_13 : memref<640x128xf32, #tpu.memory_space<vmem_shared>>) target_semaphore(%run_scoped3A : memref<!tpu.dma_semaphore, #tpu.memory_space<semaphore_mem>>)
      %dma_wait3A = arith.constant 0 : i32
      %dma_wait3A_14 = tpu.memref_slice %arg10[%mul3A_2, %dma_wait3A] : memref<10240x128xf32, #tpu.memory_space<vmem_shared>> -> memref<640x128xf32, #tpu.memory_space<vmem_shared>>
      tpu.wait_dma2 semaphore(%run_scoped3A : memref<!tpu.dma_semaphore, #tpu.memory_space<semaphore_mem>>) src(%arg5 : memref<640x128xf32, #tpu.memory_space<hbm>>) dst(%dma_wait3A_14 : memref<640x128xf32, #tpu.memory_space<vmem_shared>>)
      tpu.yield
    }) : () -> ()
    %barrier3A = arith.constant 0 : index
    tpu.barrier barrier_id(%barrier3A)
    %scan3A = arith.constant 0 : i32
    %scan3A_3 = arith.constant 0 : i32
    %scan3A_4 = arith.constant 125 : i32
    %scan3A_5 = arith.addi %scan3A_3, %scan3A_4 : i32
    %scan3A_6 = arith.constant 1 : i32
    scf.for %scan3A_13 = %scan3A_3 to %scan3A_5 step %scan3A_6  : i32 {
      %dma_start3A = arith.constant 0 : i32
      %dma_start3A_14 = tpu.memref_slice %arg7[%scan3A_13, %dma_start3A] : memref<125x80xi32, #tpu.memory_space<vmem>> -> memref<1x80xi32, #tpu.memory_space<vmem>>
      %dma_start3A_15 = tpu.memref_squeeze %dma_start3A_14 : memref<1x80xi32, #tpu.memory_space<vmem>> -> memref<80xi32, #tpu.memory_space<vmem>>
      %dma_start3A_16 = arith.constant 0 : i32
      %dma_start3A_17 = arith.constant 0 : i32
      %dma_start3A_18 = tpu.memref_slice %arg2[%dma_start3A_16, %dma_start3A_17] : memref<10000x128xf32, #tpu.memory_space<hbm>> -> memref<10000x128xf32, #tpu.memory_space<hbm>>
      tpu.enqueue_indirect_dma source(%dma_start3A_18 : memref<10000x128xf32, #tpu.memory_space<hbm>>) target(%arg9 : memref<80x128xf32, #tpu.memory_space<vmem>>) offsets(%dma_start3A_15 : memref<80xi32, #tpu.memory_space<vmem>>) semaphore(%arg11 : memref<!tpu.dma_semaphore, #tpu.memory_space<semaphore_mem>>)
      %dma_wait3A = arith.constant 0 : i32
      %dma_wait3A_19 = tpu.memref_slice %arg7[%scan3A_13, %dma_wait3A] : memref<125x80xi32, #tpu.memory_space<vmem>> -> memref<1x80xi32, #tpu.memory_space<vmem>>
      %dma_wait3A_20 = tpu.memref_squeeze %dma_wait3A_19 : memref<1x80xi32, #tpu.memory_space<vmem>> -> memref<80xi32, #tpu.memory_space<vmem>>
      %dma_wait3A_21 = arith.constant 0 : i32
      %dma_wait3A_22 = arith.constant 0 : i32
      %dma_wait3A_23 = tpu.memref_slice %arg2[%dma_wait3A_21, %dma_wait3A_22] : memref<10000x128xf32, #tpu.memory_space<hbm>> -> memref<10000x128xf32, #tpu.memory_space<hbm>>
      tpu.wait_indirect_dma semaphore(%arg11 : memref<!tpu.dma_semaphore, #tpu.memory_space<semaphore_mem>>) src(%dma_wait3A_23 : memref<10000x128xf32, #tpu.memory_space<hbm>>) dst(%arg9 : memref<80x128xf32, #tpu.memory_space<vmem>>)
      "tpu.region"() ({
        %run_scoped3A = tpu.sem_alloc : memref<!tpu.dma_semaphore, #tpu.memory_space<semaphore_mem>>
        %dma_start3A_24 = arith.constant 0 : i32
        %dma_start3A_25 = tpu.memref_slice %arg8[%scan3A_13, %dma_start3A_24] : memref<125x80xi32, #tpu.memory_space<vmem>> -> memref<1x80xi32, #tpu.memory_space<vmem>>
        %dma_start3A_26 = tpu.memref_squeeze %dma_start3A_25 : memref<1x80xi32, #tpu.memory_space<vmem>> -> memref<80xi32, #tpu.memory_space<vmem>>
        %dma_start3A_27 = arith.constant 0 : i32
        %dma_start3A_28 = arith.constant 0 : i32
        %dma_start3A_29 = tpu.memref_slice %arg10[%dma_start3A_27, %dma_start3A_28] : memref<10240x128xf32, #tpu.memory_space<vmem_shared>> -> memref<10240x128xf32, #tpu.memory_space<vmem_shared>>
        tpu.enqueue_indirect_dma source(%arg9 : memref<80x128xf32, #tpu.memory_space<vmem>>) target(%dma_start3A_29 : memref<10240x128xf32, #tpu.memory_space<vmem_shared>>) offsets(%dma_start3A_26 : memref<80xi32, #tpu.memory_space<vmem>>) semaphore(%run_scoped3A : memref<!tpu.dma_semaphore, #tpu.memory_space<semaphore_mem>>) {add = true}
        %dma_wait3A_30 = arith.constant 0 : i32
        %dma_wait3A_31 = tpu.memref_slice %arg8[%scan3A_13, %dma_wait3A_30] : memref<125x80xi32, #tpu.memory_space<vmem>> -> memref<1x80xi32, #tpu.memory_space<vmem>>
        %dma_wait3A_32 = tpu.memref_squeeze %dma_wait3A_31 : memref<1x80xi32, #tpu.memory_space<vmem>> -> memref<80xi32, #tpu.memory_space<vmem>>
        %dma_wait3A_33 = arith.constant 0 : i32
        %dma_wait3A_34 = arith.constant 0 : i32
        %dma_wait3A_35 = tpu.memref_slice %arg10[%dma_wait3A_33, %dma_wait3A_34] : memref<10240x128xf32, #tpu.memory_space<vmem_shared>> -> memref<10240x128xf32, #tpu.memory_space<vmem_shared>>
        tpu.wait_indirect_dma semaphore(%run_scoped3A : memref<!tpu.dma_semaphore, #tpu.memory_space<semaphore_mem>>) src(%arg9 : memref<80x128xf32, #tpu.memory_space<vmem>>) dst(%dma_wait3A_35 : memref<10240x128xf32, #tpu.memory_space<vmem_shared>>)
        tpu.yield
      }) : () -> ()
    }
    %scan3A_7 = arith.constant 125 : i32
    %barrier3A_8 = arith.constant 0 : index
    tpu.barrier barrier_id(%barrier3A_8)
    %mul3A_9 = arith.constant 640 : i32
    %mul3A_10 = arith.muli %arg1, %mul3A_9 : i32
    %mul3A_11 = arith.constant 640 : i32
    %mul3A_12 = arith.muli %arg1, %mul3A_11 : i32
    "tpu.region"() ({
      %run_scoped3A = tpu.sem_alloc : memref<!tpu.dma_semaphore, #tpu.memory_space<semaphore_mem>>
      %dma_start3A = arith.constant 0 : i32
      %dma_start3A_13 = tpu.memref_slice %arg6[%arg0, %mul3A_12, %dma_start3A] : memref<2x10240x128xf32, #tpu.memory_space<hbm>> -> memref<1x640x128xf32, #tpu.memory_space<hbm>>
      %dma_start3A_14 = tpu.memref_squeeze %dma_start3A_13 : memref<1x640x128xf32, #tpu.memory_space<hbm>> -> memref<640x128xf32, #tpu.memory_space<hbm>>
      %dma_start3A_15 = arith.constant 0 : i32
      %dma_start3A_16 = tpu.memref_slice %arg10[%mul3A_10, %dma_start3A_15] : memref<10240x128xf32, #tpu.memory_space<vmem_shared>> -> memref<640x128xf32, #tpu.memory_space<vmem_shared>>
      tpu.enqueue_dma source(%dma_start3A_16 : memref<640x128xf32, #tpu.memory_space<vmem_shared>>) target(%dma_start3A_14 : memref<640x128xf32, #tpu.memory_space<hbm>>) target_semaphore(%run_scoped3A : memref<!tpu.dma_semaphore, #tpu.memory_space<semaphore_mem>>)
      %dma_wait3A = arith.constant 0 : i32
      %dma_wait3A_17 = tpu.memref_slice %arg6[%arg0, %mul3A_12, %dma_wait3A] : memref<2x10240x128xf32, #tpu.memory_space<hbm>> -> memref<1x640x128xf32, #tpu.memory_space<hbm>>
      %dma_wait3A_18 = tpu.memref_squeeze %dma_wait3A_17 : memref<1x640x128xf32, #tpu.memory_space<hbm>> -> memref<640x128xf32, #tpu.memory_space<hbm>>
      %dma_wait3A_19 = arith.constant 0 : i32
      %dma_wait3A_20 = tpu.memref_slice %arg10[%mul3A_10, %dma_wait3A_19] : memref<10240x128xf32, #tpu.memory_space<vmem_shared>> -> memref<640x128xf32, #tpu.memory_space<vmem_shared>>
      tpu.wait_dma2 semaphore(%run_scoped3A : memref<!tpu.dma_semaphore, #tpu.memory_space<semaphore_mem>>) src(%dma_wait3A_20 : memref<640x128xf32, #tpu.memory_space<vmem_shared>>) dst(%dma_wait3A_18 : memref<640x128xf32, #tpu.memory_space<hbm>>)
      tpu.yield
    }) : () -> ()
    return
  }
}

#map = affine_map<(d0, d1) -> (0, 0, 0)>
#map1 = affine_map<(d0, d1) -> (0, 0)>
module attributes {stable_mosaic.version = 14 : i64} {
  func.func @kern(%arg0: i32, %arg1: i32, %arg2: memref<32x125x80xi32, #tpu.memory_space<hbm>>, %arg3: memref<80x16xf32, #tpu.memory_space<hbm>>, %arg4: memref<640x16xf32, #tpu.memory_space<hbm>>, %arg5: memref<2x10240x16xf32, #tpu.memory_space<hbm>>, %arg6: memref<125x80xi32, #tpu.memory_space<vmem>>, %arg7: memref<80x16xf32, #tpu.memory_space<vmem>>, %arg8: memref<10240x16xf32, #tpu.memory_space<vmem_shared>>) attributes {dimension_semantics = [#tpu.dimension_semantics<core_parallel>, #tpu.dimension_semantics<subcore_parallel>], iteration_bounds = array<i64: 2, 16>, scalar_prefetch = 0 : i64, scratch_operands = 3 : i64, tpu.core_type = #tpu.core_type<sc_vector_subcore>, window_params = [{transform_indices = #map}, {transform_indices = #map1}, {transform_indices = #map1}, {transform_indices = #map}]} {
    %mul3A = arith.constant 16 : i32
    %mul3A_0 = arith.muli %arg0, %mul3A : i32
    %add3A = arith.addi %mul3A_0, %arg1 : i32
    "tpu.region"() ({
      %run_scoped3A = tpu.sem_alloc : memref<!tpu.dma_semaphore, #tpu.memory_space<semaphore_mem>>
      %dma_start3A = arith.constant 0 : i32
      %dma_start3A_13 = arith.constant 0 : i32
      %dma_start3A_14 = tpu.memref_slice %arg2[%add3A, %dma_start3A, %dma_start3A_13] : memref<32x125x80xi32, #tpu.memory_space<hbm>> -> memref<1x125x80xi32, #tpu.memory_space<hbm>>
      %dma_start3A_15 = tpu.memref_squeeze %dma_start3A_14 : memref<1x125x80xi32, #tpu.memory_space<hbm>> -> memref<125x80xi32, #tpu.memory_space<hbm>>
      %dma_start3A_16 = arith.constant 0 : i32
      %dma_start3A_17 = arith.constant 0 : i32
      %dma_start3A_18 = tpu.memref_slice %arg2[%add3A, %dma_start3A_16, %dma_start3A_17] : memref<32x125x80xi32, #tpu.memory_space<hbm>> -> memref<1x125x80xi32, #tpu.memory_space<hbm>>
      %dma_start3A_19 = tpu.memref_squeeze %dma_start3A_18 : memref<1x125x80xi32, #tpu.memory_space<hbm>> -> memref<125x80xi32, #tpu.memory_space<hbm>>
      tpu.enqueue_dma source(%dma_start3A_19 : memref<125x80xi32, #tpu.memory_space<hbm>>) target(%arg6 : memref<125x80xi32, #tpu.memory_space<vmem>>) target_semaphore(%run_scoped3A : memref<!tpu.dma_semaphore, #tpu.memory_space<semaphore_mem>>)
      %dma_wait3A = arith.constant 0 : i32
      %dma_wait3A_20 = arith.constant 0 : i32
      %dma_wait3A_21 = tpu.memref_slice %arg2[%add3A, %dma_wait3A, %dma_wait3A_20] : memref<32x125x80xi32, #tpu.memory_space<hbm>> -> memref<1x125x80xi32, #tpu.memory_space<hbm>>
      %dma_wait3A_22 = tpu.memref_squeeze %dma_wait3A_21 : memref<1x125x80xi32, #tpu.memory_space<hbm>> -> memref<125x80xi32, #tpu.memory_space<hbm>>
      %dma_wait3A_23 = arith.constant 0 : i32
      %dma_wait3A_24 = arith.constant 0 : i32
      %dma_wait3A_25 = tpu.memref_slice %arg2[%add3A, %dma_wait3A_23, %dma_wait3A_24] : memref<32x125x80xi32, #tpu.memory_space<hbm>> -> memref<1x125x80xi32, #tpu.memory_space<hbm>>
      %dma_wait3A_26 = tpu.memref_squeeze %dma_wait3A_25 : memref<1x125x80xi32, #tpu.memory_space<hbm>> -> memref<125x80xi32, #tpu.memory_space<hbm>>
      tpu.wait_dma2 semaphore(%run_scoped3A : memref<!tpu.dma_semaphore, #tpu.memory_space<semaphore_mem>>) src(%dma_wait3A_26 : memref<125x80xi32, #tpu.memory_space<hbm>>) dst(%arg6 : memref<125x80xi32, #tpu.memory_space<vmem>>)
      tpu.yield
    }) : () -> ()
    "tpu.region"() ({
      %run_scoped3A = tpu.sem_alloc : memref<!tpu.dma_semaphore, #tpu.memory_space<semaphore_mem>>
      tpu.enqueue_dma source(%arg3 : memref<80x16xf32, #tpu.memory_space<hbm>>) target(%arg7 : memref<80x16xf32, #tpu.memory_space<vmem>>) target_semaphore(%run_scoped3A : memref<!tpu.dma_semaphore, #tpu.memory_space<semaphore_mem>>)
      tpu.wait_dma2 semaphore(%run_scoped3A : memref<!tpu.dma_semaphore, #tpu.memory_space<semaphore_mem>>) src(%arg3 : memref<80x16xf32, #tpu.memory_space<hbm>>) dst(%arg7 : memref<80x16xf32, #tpu.memory_space<vmem>>)
      tpu.yield
    }) : () -> ()
    %mul3A_1 = arith.constant 640 : i32
    %mul3A_2 = arith.muli %arg1, %mul3A_1 : i32
    "tpu.region"() ({
      %run_scoped3A = tpu.sem_alloc : memref<!tpu.dma_semaphore, #tpu.memory_space<semaphore_mem>>
      %dma_start3A = arith.constant 0 : i32
      %dma_start3A_13 = tpu.memref_slice %arg8[%mul3A_2, %dma_start3A] : memref<10240x16xf32, #tpu.memory_space<vmem_shared>> -> memref<640x16xf32, #tpu.memory_space<vmem_shared>>
      tpu.enqueue_dma source(%arg4 : memref<640x16xf32, #tpu.memory_space<hbm>>) target(%dma_start3A_13 : memref<640x16xf32, #tpu.memory_space<vmem_shared>>) target_semaphore(%run_scoped3A : memref<!tpu.dma_semaphore, #tpu.memory_space<semaphore_mem>>)
      %dma_wait3A = arith.constant 0 : i32
      %dma_wait3A_14 = tpu.memref_slice %arg8[%mul3A_2, %dma_wait3A] : memref<10240x16xf32, #tpu.memory_space<vmem_shared>> -> memref<640x16xf32, #tpu.memory_space<vmem_shared>>
      tpu.wait_dma2 semaphore(%run_scoped3A : memref<!tpu.dma_semaphore, #tpu.memory_space<semaphore_mem>>) src(%arg4 : memref<640x16xf32, #tpu.memory_space<hbm>>) dst(%dma_wait3A_14 : memref<640x16xf32, #tpu.memory_space<vmem_shared>>)
      tpu.yield
    }) : () -> ()
    %barrier3A = arith.constant 0 : index
    tpu.barrier barrier_id(%barrier3A)
    %scan3A = arith.constant 0 : i32
    %scan3A_3 = arith.constant 0 : i32
    %scan3A_4 = arith.constant 125 : i32
    %scan3A_5 = arith.addi %scan3A_3, %scan3A_4 : i32
    %scan3A_6 = arith.constant 1 : i32
    scf.for %scan3A_13 = %scan3A_3 to %scan3A_5 step %scan3A_6  : i32 {
      "tpu.region"() ({
        %run_scoped3A = tpu.sem_alloc : memref<!tpu.dma_semaphore, #tpu.memory_space<semaphore_mem>>
        %dma_start3A = arith.constant 0 : i32
        %dma_start3A_14 = tpu.memref_slice %arg6[%scan3A_13, %dma_start3A] : memref<125x80xi32, #tpu.memory_space<vmem>> -> memref<1x80xi32, #tpu.memory_space<vmem>>
        %dma_start3A_15 = tpu.memref_squeeze %dma_start3A_14 : memref<1x80xi32, #tpu.memory_space<vmem>> -> memref<80xi32, #tpu.memory_space<vmem>>
        %dma_start3A_16 = arith.constant 0 : i32
        %dma_start3A_17 = arith.constant 0 : i32
        %dma_start3A_18 = tpu.memref_slice %arg8[%dma_start3A_16, %dma_start3A_17] : memref<10240x16xf32, #tpu.memory_space<vmem_shared>> -> memref<10240x16xf32, #tpu.memory_space<vmem_shared>>
        tpu.enqueue_indirect_dma source(%arg7 : memref<80x16xf32, #tpu.memory_space<vmem>>) target(%dma_start3A_18 : memref<10240x16xf32, #tpu.memory_space<vmem_shared>>) offsets(%dma_start3A_15 : memref<80xi32, #tpu.memory_space<vmem>>) semaphore(%run_scoped3A : memref<!tpu.dma_semaphore, #tpu.memory_space<semaphore_mem>>) {add = true}
        %dma_wait3A = arith.constant 0 : i32
        %dma_wait3A_19 = tpu.memref_slice %arg6[%scan3A_13, %dma_wait3A] : memref<125x80xi32, #tpu.memory_space<vmem>> -> memref<1x80xi32, #tpu.memory_space<vmem>>
        %dma_wait3A_20 = tpu.memref_squeeze %dma_wait3A_19 : memref<1x80xi32, #tpu.memory_space<vmem>> -> memref<80xi32, #tpu.memory_space<vmem>>
        %dma_wait3A_21 = arith.constant 0 : i32
        %dma_wait3A_22 = arith.constant 0 : i32
        %dma_wait3A_23 = tpu.memref_slice %arg8[%dma_wait3A_21, %dma_wait3A_22] : memref<10240x16xf32, #tpu.memory_space<vmem_shared>> -> memref<10240x16xf32, #tpu.memory_space<vmem_shared>>
        tpu.wait_indirect_dma semaphore(%run_scoped3A : memref<!tpu.dma_semaphore, #tpu.memory_space<semaphore_mem>>) src(%arg7 : memref<80x16xf32, #tpu.memory_space<vmem>>) dst(%dma_wait3A_23 : memref<10240x16xf32, #tpu.memory_space<vmem_shared>>)
        tpu.yield
      }) : () -> ()
    }
    %scan3A_7 = arith.constant 125 : i32
    %barrier3A_8 = arith.constant 0 : index
    tpu.barrier barrier_id(%barrier3A_8)
    %mul3A_9 = arith.constant 640 : i32
    %mul3A_10 = arith.muli %arg1, %mul3A_9 : i32
    %mul3A_11 = arith.constant 640 : i32
    %mul3A_12 = arith.muli %arg1, %mul3A_11 : i32
    "tpu.region"() ({
      %run_scoped3A = tpu.sem_alloc : memref<!tpu.dma_semaphore, #tpu.memory_space<semaphore_mem>>
      %dma_start3A = arith.constant 0 : i32
      %dma_start3A_13 = tpu.memref_slice %arg5[%arg0, %mul3A_12, %dma_start3A] : memref<2x10240x16xf32, #tpu.memory_space<hbm>> -> memref<1x640x16xf32, #tpu.memory_space<hbm>>
      %dma_start3A_14 = tpu.memref_squeeze %dma_start3A_13 : memref<1x640x16xf32, #tpu.memory_space<hbm>> -> memref<640x16xf32, #tpu.memory_space<hbm>>
      %dma_start3A_15 = arith.constant 0 : i32
      %dma_start3A_16 = tpu.memref_slice %arg8[%mul3A_10, %dma_start3A_15] : memref<10240x16xf32, #tpu.memory_space<vmem_shared>> -> memref<640x16xf32, #tpu.memory_space<vmem_shared>>
      tpu.enqueue_dma source(%dma_start3A_16 : memref<640x16xf32, #tpu.memory_space<vmem_shared>>) target(%dma_start3A_14 : memref<640x16xf32, #tpu.memory_space<hbm>>) target_semaphore(%run_scoped3A : memref<!tpu.dma_semaphore, #tpu.memory_space<semaphore_mem>>)
      %dma_wait3A = arith.constant 0 : i32
      %dma_wait3A_17 = tpu.memref_slice %arg5[%arg0, %mul3A_12, %dma_wait3A] : memref<2x10240x16xf32, #tpu.memory_space<hbm>> -> memref<1x640x16xf32, #tpu.memory_space<hbm>>
      %dma_wait3A_18 = tpu.memref_squeeze %dma_wait3A_17 : memref<1x640x16xf32, #tpu.memory_space<hbm>> -> memref<640x16xf32, #tpu.memory_space<hbm>>
      %dma_wait3A_19 = arith.constant 0 : i32
      %dma_wait3A_20 = tpu.memref_slice %arg8[%mul3A_10, %dma_wait3A_19] : memref<10240x16xf32, #tpu.memory_space<vmem_shared>> -> memref<640x16xf32, #tpu.memory_space<vmem_shared>>
      tpu.wait_dma2 semaphore(%run_scoped3A : memref<!tpu.dma_semaphore, #tpu.memory_space<semaphore_mem>>) src(%dma_wait3A_20 : memref<640x16xf32, #tpu.memory_space<vmem_shared>>) dst(%dma_wait3A_18 : memref<640x16xf32, #tpu.memory_space<hbm>>)
      tpu.yield
    }) : () -> ()
    return
  }
}

#map = affine_map<(d0, d1) -> (0, 0)>
#map1 = affine_map<(d0, d1) -> (0, 0, 0)>
module attributes {stable_mosaic.version = 14 : i64} {
  func.func @kern(%arg0: i32, %arg1: i32, %arg2: memref<10000x128xf32, #tpu.memory_space<hbm>>, %arg3: memref<32x125x80xi32, #tpu.memory_space<hbm>>, %arg4: memref<32x125x80xi32, #tpu.memory_space<hbm>>, %arg5: memref<640x128xf32, #tpu.memory_space<hbm>>, %arg6: memref<2x10240x128xf32, #tpu.memory_space<hbm>>, %arg7: memref<125x80xi32, #tpu.memory_space<vmem>>, %arg8: memref<125x80xi32, #tpu.memory_space<vmem>>, %arg9: memref<80x128xf32, #tpu.memory_space<vmem>>, %arg10: memref<10240x128xf32, #tpu.memory_space<vmem_shared>>, %arg11: memref<!tpu.dma_semaphore, #tpu.memory_space<semaphore_mem>>) attributes {dimension_semantics = [#tpu.dimension_semantics<core_parallel>, #tpu.dimension_semantics<subcore_parallel>], iteration_bounds = array<i64: 2, 16>, scalar_prefetch = 0 : i64, scratch_operands = 5 : i64, tpu.core_type = #tpu.core_type<sc_vector_subcore>, window_params = [{transform_indices = #map}, {transform_indices = #map1}, {transform_indices = #map1}, {transform_indices = #map}, {transform_indices = #map1}]} {
    %mul3A = arith.constant 16 : i32
    %mul3A_0 = arith.muli %arg0, %mul3A : i32
    %add3A = arith.addi %mul3A_0, %arg1 : i32
    "tpu.region"() ({
      %run_scoped3A = tpu.sem_alloc : memref<!tpu.dma_semaphore, #tpu.memory_space<semaphore_mem>>
      %dma_start3A = arith.constant 0 : i32
      %dma_start3A_13 = arith.constant 0 : i32
      %dma_start3A_14 = tpu.memref_slice %arg3[%add3A, %dma_start3A, %dma_start3A_13] : memref<32x125x80xi32, #tpu.memory_space<hbm>> -> memref<1x125x80xi32, #tpu.memory_space<hbm>>
      %dma_start3A_15 = tpu.memref_squeeze %dma_start3A_14 : memref<1x125x80xi32, #tpu.memory_space<hbm>> -> memref<125x80xi32, #tpu.memory_space<hbm>>
      %dma_start3A_16 = arith.constant 0 : i32
      %dma_start3A_17 = arith.constant 0 : i32
      %dma_start3A_18 = tpu.memref_slice %arg3[%add3A, %dma_start3A_16, %dma_start3A_17] : memref<32x125x80xi32, #tpu.memory_space<hbm>> -> memref<1x125x80xi32, #tpu.memory_space<hbm>>
      %dma_start3A_19 = tpu.memref_squeeze %dma_start3A_18 : memref<1x125x80xi32, #tpu.memory_space<hbm>> -> memref<125x80xi32, #tpu.memory_space<hbm>>
      tpu.enqueue_dma source(%dma_start3A_19 : memref<125x80xi32, #tpu.memory_space<hbm>>) target(%arg7 : memref<125x80xi32, #tpu.memory_space<vmem>>) target_semaphore(%run_scoped3A : memref<!tpu.dma_semaphore, #tpu.memory_space<semaphore_mem>>)
      %dma_wait3A = arith.constant 0 : i32
      %dma_wait3A_20 = arith.constant 0 : i32
      %dma_wait3A_21 = tpu.memref_slice %arg3[%add3A, %dma_wait3A, %dma_wait3A_20] : memref<32x125x80xi32, #tpu.memory_space<hbm>> -> memref<1x125x80xi32, #tpu.memory_space<hbm>>
      %dma_wait3A_22 = tpu.memref_squeeze %dma_wait3A_21 : memref<1x125x80xi32, #tpu.memory_space<hbm>> -> memref<125x80xi32, #tpu.memory_space<hbm>>
      %dma_wait3A_23 = arith.constant 0 : i32
      %dma_wait3A_24 = arith.constant 0 : i32
      %dma_wait3A_25 = tpu.memref_slice %arg3[%add3A, %dma_wait3A_23, %dma_wait3A_24] : memref<32x125x80xi32, #tpu.memory_space<hbm>> -> memref<1x125x80xi32, #tpu.memory_space<hbm>>
      %dma_wait3A_26 = tpu.memref_squeeze %dma_wait3A_25 : memref<1x125x80xi32, #tpu.memory_space<hbm>> -> memref<125x80xi32, #tpu.memory_space<hbm>>
      tpu.wait_dma2 semaphore(%run_scoped3A : memref<!tpu.dma_semaphore, #tpu.memory_space<semaphore_mem>>) src(%dma_wait3A_26 : memref<125x80xi32, #tpu.memory_space<hbm>>) dst(%arg7 : memref<125x80xi32, #tpu.memory_space<vmem>>)
      tpu.yield
    }) : () -> ()
    "tpu.region"() ({
      %run_scoped3A = tpu.sem_alloc : memref<!tpu.dma_semaphore, #tpu.memory_space<semaphore_mem>>
      %dma_start3A = arith.constant 0 : i32
      %dma_start3A_13 = arith.constant 0 : i32
      %dma_start3A_14 = tpu.memref_slice %arg4[%add3A, %dma_start3A, %dma_start3A_13] : memref<32x125x80xi32, #tpu.memory_space<hbm>> -> memref<1x125x80xi32, #tpu.memory_space<hbm>>
      %dma_start3A_15 = tpu.memref_squeeze %dma_start3A_14 : memref<1x125x80xi32, #tpu.memory_space<hbm>> -> memref<125x80xi32, #tpu.memory_space<hbm>>
      %dma_start3A_16 = arith.constant 0 : i32
      %dma_start3A_17 = arith.constant 0 : i32
      %dma_start3A_18 = tpu.memref_slice %arg4[%add3A, %dma_start3A_16, %dma_start3A_17] : memref<32x125x80xi32, #tpu.memory_space<hbm>> -> memref<1x125x80xi32, #tpu.memory_space<hbm>>
      %dma_start3A_19 = tpu.memref_squeeze %dma_start3A_18 : memref<1x125x80xi32, #tpu.memory_space<hbm>> -> memref<125x80xi32, #tpu.memory_space<hbm>>
      tpu.enqueue_dma source(%dma_start3A_19 : memref<125x80xi32, #tpu.memory_space<hbm>>) target(%arg8 : memref<125x80xi32, #tpu.memory_space<vmem>>) target_semaphore(%run_scoped3A : memref<!tpu.dma_semaphore, #tpu.memory_space<semaphore_mem>>)
      %dma_wait3A = arith.constant 0 : i32
      %dma_wait3A_20 = arith.constant 0 : i32
      %dma_wait3A_21 = tpu.memref_slice %arg4[%add3A, %dma_wait3A, %dma_wait3A_20] : memref<32x125x80xi32, #tpu.memory_space<hbm>> -> memref<1x125x80xi32, #tpu.memory_space<hbm>>
      %dma_wait3A_22 = tpu.memref_squeeze %dma_wait3A_21 : memref<1x125x80xi32, #tpu.memory_space<hbm>> -> memref<125x80xi32, #tpu.memory_space<hbm>>
      %dma_wait3A_23 = arith.constant 0 : i32
      %dma_wait3A_24 = arith.constant 0 : i32
      %dma_wait3A_25 = tpu.memref_slice %arg4[%add3A, %dma_wait3A_23, %dma_wait3A_24] : memref<32x125x80xi32, #tpu.memory_space<hbm>> -> memref<1x125x80xi32, #tpu.memory_space<hbm>>
      %dma_wait3A_26 = tpu.memref_squeeze %dma_wait3A_25 : memref<1x125x80xi32, #tpu.memory_space<hbm>> -> memref<125x80xi32, #tpu.memory_space<hbm>>
      tpu.wait_dma2 semaphore(%run_scoped3A : memref<!tpu.dma_semaphore, #tpu.memory_space<semaphore_mem>>) src(%dma_wait3A_26 : memref<125x80xi32, #tpu.memory_space<hbm>>) dst(%arg8 : memref<125x80xi32, #tpu.memory_space<vmem>>)
      tpu.yield
    }) : () -> ()
    %mul3A_1 = arith.constant 640 : i32
    %mul3A_2 = arith.muli %arg1, %mul3A_1 : i32
    "tpu.region"() ({
      %run_scoped3A = tpu.sem_alloc : memref<!tpu.dma_semaphore, #tpu.memory_space<semaphore_mem>>
      %dma_start3A = arith.constant 0 : i32
      %dma_start3A_13 = tpu.memref_slice %arg10[%mul3A_2, %dma_start3A] : memref<10240x128xf32, #tpu.memory_space<vmem_shared>> -> memref<640x128xf32, #tpu.memory_space<vmem_shared>>
      tpu.enqueue_dma source(%arg5 : memref<640x128xf32, #tpu.memory_space<hbm>>) target(%dma_start3A_13 : memref<640x128xf32, #tpu.memory_space<vmem_shared>>) target_semaphore(%run_scoped3A : memref<!tpu.dma_semaphore, #tpu.memory_space<semaphore_mem>>)
      %dma_wait3A = arith.constant 0 : i32
      %dma_wait3A_14 = tpu.memref_slice %arg10[%mul3A_2, %dma_wait3A] : memref<10240x128xf32, #tpu.memory_space<vmem_shared>> -> memref<640x128xf32, #tpu.memory_space<vmem_shared>>
      tpu.wait_dma2 semaphore(%run_scoped3A : memref<!tpu.dma_semaphore, #tpu.memory_space<semaphore_mem>>) src(%arg5 : memref<640x128xf32, #tpu.memory_space<hbm>>) dst(%dma_wait3A_14 : memref<640x128xf32, #tpu.memory_space<vmem_shared>>)
      tpu.yield
    }) : () -> ()
    %barrier3A = arith.constant 0 : index
    tpu.barrier barrier_id(%barrier3A)
    %scan3A = arith.constant 0 : i32
    %scan3A_3 = arith.constant 0 : i32
    %scan3A_4 = arith.constant 125 : i32
    %scan3A_5 = arith.addi %scan3A_3, %scan3A_4 : i32
    %scan3A_6 = arith.constant 1 : i32
    scf.for %scan3A_13 = %scan3A_3 to %scan3A_5 step %scan3A_6  : i32 {
      %dma_start3A = arith.constant 0 : i32
      %dma_start3A_14 = tpu.memref_slice %arg7[%scan3A_13, %dma_start3A] : memref<125x80xi32, #tpu.memory_space<vmem>> -> memref<1x80xi32, #tpu.memory_space<vmem>>
      %dma_start3A_15 = tpu.memref_squeeze %dma_start3A_14 : memref<1x80xi32, #tpu.memory_space<vmem>> -> memref<80xi32, #tpu.memory_space<vmem>>
      %dma_start3A_16 = arith.constant 0 : i32
      %dma_start3A_17 = arith.constant 0 : i32
      %dma_start3A_18 = tpu.memref_slice %arg2[%dma_start3A_16, %dma_start3A_17] : memref<10000x128xf32, #tpu.memory_space<hbm>> -> memref<10000x128xf32, #tpu.memory_space<hbm>>
      tpu.enqueue_indirect_dma source(%dma_start3A_18 : memref<10000x128xf32, #tpu.memory_space<hbm>>) target(%arg9 : memref<80x128xf32, #tpu.memory_space<vmem>>) offsets(%dma_start3A_15 : memref<80xi32, #tpu.memory_space<vmem>>) semaphore(%arg11 : memref<!tpu.dma_semaphore, #tpu.memory_space<semaphore_mem>>)
      %dma_wait3A = arith.constant 0 : i32
      %dma_wait3A_19 = tpu.memref_slice %arg7[%scan3A_13, %dma_wait3A] : memref<125x80xi32, #tpu.memory_space<vmem>> -> memref<1x80xi32, #tpu.memory_space<vmem>>
      %dma_wait3A_20 = tpu.memref_squeeze %dma_wait3A_19 : memref<1x80xi32, #tpu.memory_space<vmem>> -> memref<80xi32, #tpu.memory_space<vmem>>
      %dma_wait3A_21 = arith.constant 0 : i32
      %dma_wait3A_22 = arith.constant 0 : i32
      %dma_wait3A_23 = tpu.memref_slice %arg2[%dma_wait3A_21, %dma_wait3A_22] : memref<10000x128xf32, #tpu.memory_space<hbm>> -> memref<10000x128xf32, #tpu.memory_space<hbm>>
      tpu.wait_indirect_dma semaphore(%arg11 : memref<!tpu.dma_semaphore, #tpu.memory_space<semaphore_mem>>) src(%dma_wait3A_23 : memref<10000x128xf32, #tpu.memory_space<hbm>>) dst(%arg9 : memref<80x128xf32, #tpu.memory_space<vmem>>)
      "tpu.region"() ({
        %run_scoped3A = tpu.sem_alloc : memref<!tpu.dma_semaphore, #tpu.memory_space<semaphore_mem>>
        %dma_start3A_24 = arith.constant 0 : i32
        %dma_start3A_25 = tpu.memref_slice %arg8[%scan3A_13, %dma_start3A_24] : memref<125x80xi32, #tpu.memory_space<vmem>> -> memref<1x80xi32, #tpu.memory_space<vmem>>
        %dma_start3A_26 = tpu.memref_squeeze %dma_start3A_25 : memref<1x80xi32, #tpu.memory_space<vmem>> -> memref<80xi32, #tpu.memory_space<vmem>>
        %dma_start3A_27 = arith.constant 0 : i32
        %dma_start3A_28 = arith.constant 0 : i32
        %dma_start3A_29 = tpu.memref_slice %arg10[%dma_start3A_27, %dma_start3A_28] : memref<10240x128xf32, #tpu.memory_space<vmem_shared>> -> memref<10240x128xf32, #tpu.memory_space<vmem_shared>>
        tpu.enqueue_indirect_dma source(%arg9 : memref<80x128xf32, #tpu.memory_space<vmem>>) target(%dma_start3A_29 : memref<10240x128xf32, #tpu.memory_space<vmem_shared>>) offsets(%dma_start3A_26 : memref<80xi32, #tpu.memory_space<vmem>>) semaphore(%run_scoped3A : memref<!tpu.dma_semaphore, #tpu.memory_space<semaphore_mem>>) {add = true}
        %dma_wait3A_30 = arith.constant 0 : i32
        %dma_wait3A_31 = tpu.memref_slice %arg8[%scan3A_13, %dma_wait3A_30] : memref<125x80xi32, #tpu.memory_space<vmem>> -> memref<1x80xi32, #tpu.memory_space<vmem>>
        %dma_wait3A_32 = tpu.memref_squeeze %dma_wait3A_31 : memref<1x80xi32, #tpu.memory_space<vmem>> -> memref<80xi32, #tpu.memory_space<vmem>>
        %dma_wait3A_33 = arith.constant 0 : i32
        %dma_wait3A_34 = arith.constant 0 : i32
        %dma_wait3A_35 = tpu.memref_slice %arg10[%dma_wait3A_33, %dma_wait3A_34] : memref<10240x128xf32, #tpu.memory_space<vmem_shared>> -> memref<10240x128xf32, #tpu.memory_space<vmem_shared>>
        tpu.wait_indirect_dma semaphore(%run_scoped3A : memref<!tpu.dma_semaphore, #tpu.memory_space<semaphore_mem>>) src(%arg9 : memref<80x128xf32, #tpu.memory_space<vmem>>) dst(%dma_wait3A_35 : memref<10240x128xf32, #tpu.memory_space<vmem_shared>>)
        tpu.yield
      }) : () -> ()
    }
    %scan3A_7 = arith.constant 125 : i32
    %barrier3A_8 = arith.constant 0 : index
    tpu.barrier barrier_id(%barrier3A_8)
    %mul3A_9 = arith.constant 640 : i32
    %mul3A_10 = arith.muli %arg1, %mul3A_9 : i32
    %mul3A_11 = arith.constant 640 : i32
    %mul3A_12 = arith.muli %arg1, %mul3A_11 : i32
    "tpu.region"() ({
      %run_scoped3A = tpu.sem_alloc : memref<!tpu.dma_semaphore, #tpu.memory_space<semaphore_mem>>
      %dma_start3A = arith.constant 0 : i32
      %dma_start3A_13 = tpu.memref_slice %arg6[%arg0, %mul3A_12, %dma_start3A] : memref<2x10240x128xf32, #tpu.memory_space<hbm>> -> memref<1x640x128xf32, #tpu.memory_space<hbm>>
      %dma_start3A_14 = tpu.memref_squeeze %dma_start3A_13 : memref<1x640x128xf32, #tpu.memory_space<hbm>> -> memref<640x128xf32, #tpu.memory_space<hbm>>
      %dma_start3A_15 = arith.constant 0 : i32
      %dma_start3A_16 = tpu.memref_slice %arg10[%mul3A_10, %dma_start3A_15] : memref<10240x128xf32, #tpu.memory_space<vmem_shared>> -> memref<640x128xf32, #tpu.memory_space<vmem_shared>>
      tpu.enqueue_dma source(%dma_start3A_16 : memref<640x128xf32, #tpu.memory_space<vmem_shared>>) target(%dma_start3A_14 : memref<640x128xf32, #tpu.memory_space<hbm>>) target_semaphore(%run_scoped3A : memref<!tpu.dma_semaphore, #tpu.memory_space<semaphore_mem>>)
      %dma_wait3A = arith.constant 0 : i32
      %dma_wait3A_17 = tpu.memref_slice %arg6[%arg0, %mul3A_12, %dma_wait3A] : memref<2x10240x128xf32, #tpu.memory_space<hbm>> -> memref<1x640x128xf32, #tpu.memory_space<hbm>>
      %dma_wait3A_18 = tpu.memref_squeeze %dma_wait3A_17 : memref<1x640x128xf32, #tpu.memory_space<hbm>> -> memref<640x128xf32, #tpu.memory_space<hbm>>
      %dma_wait3A_19 = arith.constant 0 : i32
      %dma_wait3A_20 = tpu.memref_slice %arg10[%mul3A_10, %dma_wait3A_19] : memref<10240x128xf32, #tpu.memory_space<vmem_shared>> -> memref<640x128xf32, #tpu.memory_space<vmem_shared>>
      tpu.wait_dma2 semaphore(%run_scoped3A : memref<!tpu.dma_semaphore, #tpu.memory_space<semaphore_mem>>) src(%dma_wait3A_20 : memref<640x128xf32, #tpu.memory_space<vmem_shared>>) dst(%dma_wait3A_18 : memref<640x128xf32, #tpu.memory_space<hbm>>)
      tpu.yield
    }) : () -> ()
    return
  }
}

module attributes {stable_mosaic.version = 14 : i64} {
  func.func @body(%arg0: i32, %arg1: memref<1000x128xf32, #tpu.memory_space<vmem>>, %arg2: memref<128x128xf32, #tpu.memory_space<vmem>>, %arg3: memref<1000x128xf32, #tpu.memory_space<vmem>>) attributes {dimension_semantics = [#tpu.dimension_semantics<arbitrary>], iteration_bounds = array<i64: 10>, scalar_prefetch = 0 : i64, scratch_operands = 0 : i64, tpu.core_type = #tpu.core_type<tc>, window_params = [{transform_indices = @transform_0, window_bounds = array<i64: 1000, 128>}, {pipeline_mode = #tpu.pipeline_mode<synchronous>, transform_indices = @transform_1, window_bounds = array<i64: 128, 128>}, {transform_indices = @transform_2, window_bounds = array<i64: 1000, 128>}]} {
    %get3A = arith.constant 0 : index
    %get3A_0 = arith.constant 0 : index
    %get3A_1 = vector.load %arg1[%get3A, %get3A_0] : memref<1000x128xf32, #tpu.memory_space<vmem>>, vector<1000x128xf32>
    %get3A_2 = arith.constant 0 : index
    %get3A_3 = arith.constant 0 : index
    %get3A_4 = vector.load %arg2[%get3A_2, %get3A_3] : memref<128x128xf32, #tpu.memory_space<vmem>>, vector<128x128xf32>
    %dot_general3A = arith.constant dense<0.000000e+00> : vector<1000x128xf32>
    %dot_general3A_5 = tpu.matmul %get3A_1, %get3A_4, %dot_general3A {dimension_numbers = #tpu.dot_dimension_numbers<[1], [0], [0], [1], [0, 0, 1, 1], [], []>, transpose_lhs_hint = false} : vector<1000x128xf32>, vector<128x128xf32>, vector<1000x128xf32> -> vector<1000x128xf32>
    %swap3A = arith.constant 0 : index
    %swap3A_6 = arith.constant 0 : index
    %swap3A_7 = vector.load %arg3[%swap3A, %swap3A_6] : memref<1000x128xf32, #tpu.memory_space<vmem>>, vector<1000x128xf32>
    tpu.vector_store %arg3[%swap3A, %swap3A_6], %dot_general3A_5 {strides = array<i32>} : memref<1000x128xf32, #tpu.memory_space<vmem>>, vector<1000x128xf32>,
    return
  }
  func.func @transform_0(%arg0: i32) -> (i32, i32) {
    %c0_i32 = arith.constant 0 : i32
    %c0_i32_0 = arith.constant 0 : i32
    return %arg0, %c0_i32 : i32, i32
  }
  func.func @transform_1(%arg0: i32) -> (i32, i32) {
    %c0_i32 = arith.constant 0 : i32
    %c0_i32_0 = arith.constant 0 : i32
    %c0_i32_1 = arith.constant 0 : i32
    return %c0_i32, %c0_i32_0 : i32, i32
  }
  func.func @transform_2(%arg0: i32) -> (i32, i32) {
    %c0_i32 = arith.constant 0 : i32
    %c0_i32_0 = arith.constant 0 : i32
    return %arg0, %c0_i32 : i32, i32
  }
}

module attributes {stable_mosaic.version = 14 : i64} {
  func.func @body(%arg0: i32, %arg1: memref<2x1000x16xf32, #tpu.memory_space<vmem>>, %arg2: memref<1000x128xf32, #tpu.memory_space<vmem>>, %arg3: memref<1000x128xf32, #tpu.memory_space<vmem>>, %arg4: memref<1000x1xf32, #tpu.memory_space<vmem>>) attributes {dimension_semantics = [#tpu.dimension_semantics<arbitrary>], iteration_bounds = array<i64: 10>, scalar_prefetch = 0 : i64, scratch_operands = 0 : i64, tpu.core_type = #tpu.core_type<tc>, window_params = [{transform_indices = @transform_0, window_bounds = array<i64: 2, 1000, 16>}, {transform_indices = @transform_1, window_bounds = array<i64: 1000, 128>}, {transform_indices = @transform_2, window_bounds = array<i64: 1000, 128>}, {transform_indices = @transform_3, window_bounds = array<i64: 1000, 1>}]} {
    %get3A = arith.constant 0 : index
    %get3A_0 = arith.constant 0 : index
    %get3A_1 = arith.constant 0 : index
    %get3A_2 = vector.load %arg1[%get3A, %get3A_0, %get3A_1] : memref<2x1000x16xf32, #tpu.memory_space<vmem>>, vector<1x1000x1xf32>
    %get3A_3 = vector.shape_cast %get3A_2 : vector<1x1000x1xf32> to vector<1000x1xf32>
    %get3A_4 = arith.constant 1 : index
    %get3A_5 = arith.constant 0 : index
    %get3A_6 = arith.constant 0 : index
    %get3A_7 = vector.load %arg1[%get3A_4, %get3A_5, %get3A_6] : memref<2x1000x16xf32, #tpu.memory_space<vmem>>, vector<1x1000x1xf32>
    %get3A_8 = vector.shape_cast %get3A_7 : vector<1x1000x1xf32> to vector<1000x1xf32>
    %add3A = arith.addf %get3A_3, %get3A_8 : vector<1000x1xf32>
    %add3A_9 = arith.constant 1.000000e+00 : f32
    %add3A_10 = vector.broadcast %add3A_9 : f32 to vector<1000x1xf32>
    %add3A_11 = arith.addf %add3A, %add3A_10 : vector<1000x1xf32>
    %rsqrt3A = math.rsqrt %add3A_11 : vector<1000x1xf32>
    %swap3A = arith.constant 0 : index
    %swap3A_12 = arith.constant 0 : index
    %swap3A_13 = vector.load %arg4[%swap3A, %swap3A_12] : memref<1000x1xf32, #tpu.memory_space<vmem>>, vector<1000x1xf32>
    tpu.vector_store %arg4[%swap3A, %swap3A_12], %rsqrt3A {strides = array<i32>} : memref<1000x1xf32, #tpu.memory_space<vmem>>, vector<1000x1xf32>,
    %get3A_14 = arith.constant 0 : index
    %get3A_15 = arith.constant 0 : index
    %get3A_16 = vector.load %arg2[%get3A_14, %get3A_15] : memref<1000x128xf32, #tpu.memory_space<vmem>>, vector<1000x128xf32>
    %mul3A = vector.broadcast %rsqrt3A : vector<1000x1xf32> to vector<1000x128xf32>
    %mul3A_17 = arith.mulf %get3A_16, %mul3A : vector<1000x128xf32>
    %swap3A_18 = arith.constant 0 : index
    %swap3A_19 = arith.constant 0 : index
    %swap3A_20 = vector.load %arg3[%swap3A_18, %swap3A_19] : memref<1000x128xf32, #tpu.memory_space<vmem>>, vector<1000x128xf32>
    tpu.vector_store %arg3[%swap3A_18, %swap3A_19], %mul3A_17 {strides = array<i32>} : memref<1000x128xf32, #tpu.memory_space<vmem>>, vector<1000x128xf32>,
    return
  }
  func.func @transform_0(%arg0: i32) -> (i32, i32, i32) {
    %c0_i32 = arith.constant 0 : i32
    %c0_i32_0 = arith.constant 0 : i32
    %c0_i32_1 = arith.constant 0 : i32
    return %c0_i32, %arg0, %c0_i32_0 : i32, i32, i32
  }
  func.func @transform_1(%arg0: i32) -> (i32, i32) {
    %c0_i32 = arith.constant 0 : i32
    %c0_i32_0 = arith.constant 0 : i32
    return %arg0, %c0_i32 : i32, i32
  }
  func.func @transform_2(%arg0: i32) -> (i32, i32) {
    %c0_i32 = arith.constant 0 : i32
    %c0_i32_0 = arith.constant 0 : i32
    return %arg0, %c0_i32 : i32, i32
  }
  func.func @transform_3(%arg0: i32) -> (i32, i32) {
    %c0_i32 = arith.constant 0 : i32
    %c0_i32_0 = arith.constant 0 : i32
    return %arg0, %c0_i32 : i32, i32
  }
}

module attributes {stable_mosaic.version = 14 : i64} {
  func.func @body(%arg0: i32, %arg1: memref<2x1000x128xf32, #tpu.memory_space<vmem>>, %arg2: memref<1000x128xf32, #tpu.memory_space<vmem>>, %arg3: memref<1000x1xf32, #tpu.memory_space<vmem>>, %arg4: memref<1x128xf32, #tpu.memory_space<vmem>>, %arg5: memref<128x128xf32, #tpu.memory_space<vmem>>, %arg6: memref<1000x128xf32, #tpu.memory_space<vmem>>, %arg7: memref<1000x128xf32, #tpu.memory_space<vmem>>) attributes {dimension_semantics = [#tpu.dimension_semantics<arbitrary>], iteration_bounds = array<i64: 10>, scalar_prefetch = 0 : i64, scratch_operands = 0 : i64, tpu.core_type = #tpu.core_type<tc>, window_params = [{transform_indices = @transform_0, window_bounds = array<i64: 2, 1000, 128>}, {transform_indices = @transform_1, window_bounds = array<i64: 1000, 128>}, {transform_indices = @transform_2, window_bounds = array<i64: 1000, 1>}, {pipeline_mode = #tpu.pipeline_mode<synchronous>, transform_indices = @transform_3, window_bounds = array<i64: 1, 128>}, {pipeline_mode = #tpu.pipeline_mode<synchronous>, transform_indices = @transform_4, window_bounds = array<i64: 128, 128>}, {transform_indices = @transform_5, window_bounds = array<i64: 1000, 128>}, {transform_indices = @transform_6, window_bounds = array<i64: 1000, 128>}]} {
    %get3A = arith.constant 0 : index
    %get3A_0 = arith.constant 0 : index
    %get3A_1 = vector.load %arg3[%get3A, %get3A_0] : memref<1000x1xf32, #tpu.memory_space<vmem>>, vector<1000x1xf32>
    %get3A_2 = arith.constant 0 : index
    %get3A_3 = arith.constant 0 : index
    %get3A_4 = arith.constant 0 : index
    %get3A_5 = vector.load %arg1[%get3A_2, %get3A_3, %get3A_4] : memref<2x1000x128xf32, #tpu.memory_space<vmem>>, vector<1x1000x128xf32>
    %get3A_6 = vector.shape_cast %get3A_5 : vector<1x1000x128xf32> to vector<1000x128xf32>
    %get3A_7 = arith.constant 1 : index
    %get3A_8 = arith.constant 0 : index
    %get3A_9 = arith.constant 0 : index
    %get3A_10 = vector.load %arg1[%get3A_7, %get3A_8, %get3A_9] : memref<2x1000x128xf32, #tpu.memory_space<vmem>>, vector<1x1000x128xf32>
    %get3A_11 = vector.shape_cast %get3A_10 : vector<1x1000x128xf32> to vector<1000x128xf32>
    %add3A = arith.addf %get3A_6, %get3A_11 : vector<1000x128xf32>
    %get3A_12 = arith.constant 0 : index
    %get3A_13 = arith.constant 0 : index
    %get3A_14 = vector.load %arg2[%get3A_12, %get3A_13] : memref<1000x128xf32, #tpu.memory_space<vmem>>, vector<1000x128xf32>
    %add3A_15 = arith.addf %add3A, %get3A_14 : vector<1000x128xf32>
    %mul3A = vector.broadcast %get3A_1 : vector<1000x1xf32> to vector<1000x128xf32>
    %mul3A_16 = arith.mulf %mul3A, %add3A_15 : vector<1000x128xf32>
    %get3A_17 = arith.constant 0 : index
    %get3A_18 = arith.constant 0 : index
    %get3A_19 = vector.load %arg4[%get3A_17, %get3A_18] : memref<1x128xf32, #tpu.memory_space<vmem>>, vector<1x128xf32>
    %add3A_20 = vector.broadcast %get3A_19 : vector<1x128xf32> to vector<1000x128xf32>
    %add3A_21 = arith.addf %mul3A_16, %add3A_20 : vector<1000x128xf32>
    %max3A = arith.constant 0.000000e+00 : f32
    %max3A_22 = vector.broadcast %max3A : f32 to vector<1000x128xf32>
    %max3A_23 = arith.maximumf %add3A_21, %max3A_22 : vector<1000x128xf32>
    %swap3A = arith.constant 0 : index
    %swap3A_24 = arith.constant 0 : index
    %swap3A_25 = vector.load %arg6[%swap3A, %swap3A_24] : memref<1000x128xf32, #tpu.memory_space<vmem>>, vector<1000x128xf32>
    tpu.vector_store %arg6[%swap3A, %swap3A_24], %max3A_23 {strides = array<i32>} : memref<1000x128xf32, #tpu.memory_space<vmem>>, vector<1000x128xf32>,
    %get3A_26 = arith.constant 0 : index
    %get3A_27 = arith.constant 0 : index
    %get3A_28 = vector.load %arg5[%get3A_26, %get3A_27] : memref<128x128xf32, #tpu.memory_space<vmem>>, vector<128x128xf32>
    %dot_general3A = arith.constant dense<0.000000e+00> : vector<1000x128xf32>
    %dot_general3A_29 = tpu.matmul %max3A_23, %get3A_28, %dot_general3A {dimension_numbers = #tpu.dot_dimension_numbers<[1], [0], [0], [1], [0, 0, 1, 1], [], []>, transpose_lhs_hint = false} : vector<1000x128xf32>, vector<128x128xf32>, vector<1000x128xf32> -> vector<1000x128xf32>
    %mul3A_30 = vector.broadcast %get3A_1 : vector<1000x1xf32> to vector<1000x128xf32>
    %mul3A_31 = arith.mulf %dot_general3A_29, %mul3A_30 : vector<1000x128xf32>
    %swap3A_32 = arith.constant 0 : index
    %swap3A_33 = arith.constant 0 : index
    %swap3A_34 = vector.load %arg7[%swap3A_32, %swap3A_33] : memref<1000x128xf32, #tpu.memory_space<vmem>>, vector<1000x128xf32>
    tpu.vector_store %arg7[%swap3A_32, %swap3A_33], %mul3A_31 {strides = array<i32>} : memref<1000x128xf32, #tpu.memory_space<vmem>>, vector<1000x128xf32>,
    return
  }
  func.func @transform_0(%arg0: i32) -> (i32, i32, i32) {
    %c0_i32 = arith.constant 0 : i32
    %c0_i32_0 = arith.constant 0 : i32
    %c0_i32_1 = arith.constant 0 : i32
    return %c0_i32, %arg0, %c0_i32_0 : i32, i32, i32
  }
  func.func @transform_1(%arg0: i32) -> (i32, i32) {
    %c0_i32 = arith.constant 0 : i32
    %c0_i32_0 = arith.constant 0 : i32
    return %arg0, %c0_i32 : i32, i32
  }
  func.func @transform_2(%arg0: i32) -> (i32, i32) {
    %c0_i32 = arith.constant 0 : i32
    %c0_i32_0 = arith.constant 0 : i32
    return %arg0, %c0_i32 : i32, i32
  }
  func.func @transform_3(%arg0: i32) -> (i32, i32) {
    %c0_i32 = arith.constant 0 : i32
    %c0_i32_0 = arith.constant 0 : i32
    %c0_i32_1 = arith.constant 0 : i32
    return %c0_i32, %c0_i32_0 : i32, i32
  }
  func.func @transform_4(%arg0: i32) -> (i32, i32) {
    %c0_i32 = arith.constant 0 : i32
    %c0_i32_0 = arith.constant 0 : i32
    %c0_i32_1 = arith.constant 0 : i32
    return %c0_i32, %c0_i32_0 : i32, i32
  }
  func.func @transform_5(%arg0: i32) -> (i32, i32) {
    %c0_i32 = arith.constant 0 : i32
    %c0_i32_0 = arith.constant 0 : i32
    return %arg0, %c0_i32 : i32, i32
  }
  func.func @transform_6(%arg0: i32) -> (i32, i32) {
    %c0_i32 = arith.constant 0 : i32
    %c0_i32_0 = arith.constant 0 : i32
    return %arg0, %c0_i32 : i32, i32
  }
}

module attributes {stable_mosaic.version = 14 : i64} {
  func.func @body(%arg0: i32, %arg1: memref<2x1000x128xf32, #tpu.memory_space<vmem>>, %arg2: memref<1000x128xf32, #tpu.memory_space<vmem>>, %arg3: memref<1000x128xf32, #tpu.memory_space<vmem>>, %arg4: memref<1000x1xf32, #tpu.memory_space<vmem>>, %arg5: memref<1x128xf32, #tpu.memory_space<vmem>>, %arg6: memref<1x128xf32, #tpu.memory_space<vmem>>, %arg7: memref<1x128xf32, #tpu.memory_space<vmem>>, %arg8: memref<1000x128xf32, #tpu.memory_space<vmem>>, %arg9: memref<384x128xf32, #tpu.memory_space<vmem>>, %arg10: memref<384x128xf32, #tpu.memory_space<vmem>>, %arg11: memref<1x384xf32, #tpu.memory_space<vmem>>, %arg12: memref<1x384xf32, #tpu.memory_space<vmem>>, %arg13: memref<1000x128xf32, #tpu.memory_space<vmem>>) attributes {dimension_semantics = [#tpu.dimension_semantics<arbitrary>], iteration_bounds = array<i64: 10>, scalar_prefetch = 0 : i64, scratch_operands = 0 : i64, tpu.core_type = #tpu.core_type<tc>, window_params = [{transform_indices = @transform_0, window_bounds = array<i64: 2, 1000, 128>}, {transform_indices = @transform_1, window_bounds = array<i64: 1000, 128>}, {transform_indices = @transform_2, window_bounds = array<i64: 1000, 128>}, {transform_indices = @transform_3, window_bounds = array<i64: 1000, 1>}, {pipeline_mode = #tpu.pipeline_mode<synchronous>, transform_indices = @transform_4, window_bounds = array<i64: 1, 128>}, {pipeline_mode = #tpu.pipeline_mode<synchronous>, transform_indices = @transform_5, window_bounds = array<i64: 1, 128>}, {pipeline_mode = #tpu.pipeline_mode<synchronous>, transform_indices = @transform_6, window_bounds = array<i64: 1, 128>}, {transform_indices = @transform_7, window_bounds = array<i64: 1000, 128>}, {pipeline_mode = #tpu.pipeline_mode<synchronous>, transform_indices = @transform_8, window_bounds = array<i64: 384, 128>}, {pipeline_mode = #tpu.pipeline_mode<synchronous>, transform_indices = @transform_9, window_bounds = array<i64: 384, 128>}, {pipeline_mode = #tpu.pipeline_mode<synchronous>, transform_indices = @transform_10, window_bounds = array<i64: 1, 384>}, {pipeline_mode = #tpu.pipeline_mode<synchronous>, transform_indices = @transform_11, window_bounds = array<i64: 1, 384>}, {transform_indices = @transform_12, window_bounds = array<i64: 1000, 128>}]} {
    %get3A = arith.constant 0 : index
    %get3A_0 = arith.constant 0 : index
    %get3A_1 = vector.load %arg4[%get3A, %get3A_0] : memref<1000x1xf32, #tpu.memory_space<vmem>>, vector<1000x1xf32>
    %get3A_2 = arith.constant 0 : index
    %get3A_3 = arith.constant 0 : index
    %get3A_4 = arith.constant 0 : index
    %get3A_5 = vector.load %arg1[%get3A_2, %get3A_3, %get3A_4] : memref<2x1000x128xf32, #tpu.memory_space<vmem>>, vector<1x1000x128xf32>
    %get3A_6 = vector.shape_cast %get3A_5 : vector<1x1000x128xf32> to vector<1000x128xf32>
    %get3A_7 = arith.constant 1 : index
    %get3A_8 = arith.constant 0 : index
    %get3A_9 = arith.constant 0 : index
    %get3A_10 = vector.load %arg1[%get3A_7, %get3A_8, %get3A_9] : memref<2x1000x128xf32, #tpu.memory_space<vmem>>, vector<1x1000x128xf32>
    %get3A_11 = vector.shape_cast %get3A_10 : vector<1x1000x128xf32> to vector<1000x128xf32>
    %add3A = arith.addf %get3A_6, %get3A_11 : vector<1000x128xf32>
    %get3A_12 = arith.constant 0 : index
    %get3A_13 = arith.constant 0 : index
    %get3A_14 = vector.load %arg2[%get3A_12, %get3A_13] : memref<1000x128xf32, #tpu.memory_space<vmem>>, vector<1000x128xf32>
    %add3A_15 = arith.addf %add3A, %get3A_14 : vector<1000x128xf32>
    %mul3A = vector.broadcast %get3A_1 : vector<1000x1xf32> to vector<1000x128xf32>
    %mul3A_16 = arith.mulf %mul3A, %add3A_15 : vector<1000x128xf32>
    %get3A_17 = arith.constant 0 : index
    %get3A_18 = arith.constant 0 : index
    %get3A_19 = vector.load %arg5[%get3A_17, %get3A_18] : memref<1x128xf32, #tpu.memory_space<vmem>>, vector<1x128xf32>
    %add3A_20 = vector.broadcast %get3A_19 : vector<1x128xf32> to vector<1000x128xf32>
    %add3A_21 = arith.addf %mul3A_16, %add3A_20 : vector<1000x128xf32>
    %get3A_22 = arith.constant 0 : index
    %get3A_23 = arith.constant 0 : index
    %get3A_24 = vector.load %arg3[%get3A_22, %get3A_23] : memref<1000x128xf32, #tpu.memory_space<vmem>>, vector<1000x128xf32>
    %max3A = arith.constant 0.000000e+00 : f32
    %max3A_25 = vector.broadcast %max3A : f32 to vector<1000x128xf32>
    %max3A_26 = arith.maximumf %add3A_21, %max3A_25 : vector<1000x128xf32>
    %add3A_27 = arith.addf %get3A_24, %max3A_26 : vector<1000x128xf32>
    %reduce_sum3A = arith.constant dense<0.000000e+00> : vector<1000xf32>
    %reduce_sum3A_28 = vector.multi_reduction <add>, %add3A_27, %reduce_sum3A [1] : vector<1000x128xf32> to vector<1000xf32>
    %broadcast_in_dim3A = vector.shape_cast %reduce_sum3A_28 : vector<1000xf32> to vector<1000x1xf32>
    %div3A = arith.constant 1.280000e+02 : f32
    %div3A_29 = vector.broadcast %div3A : f32 to vector<1000x1xf32>
    %div3A_30 = arith.divf %broadcast_in_dim3A, %div3A_29 : vector<1000x1xf32>
    %sub3A = vector.broadcast %div3A_30 : vector<1000x1xf32> to vector<1000x128xf32>
    %sub3A_31 = arith.subf %add3A_27, %sub3A : vector<1000x128xf32>
    %integer_pow3A = arith.mulf %sub3A_31, %sub3A_31 : vector<1000x128xf32>
    %reduce_sum3A_32 = arith.constant dense<0.000000e+00> : vector<1000xf32>
    %reduce_sum3A_33 = vector.multi_reduction <add>, %integer_pow3A, %reduce_sum3A_32 [1] : vector<1000x128xf32> to vector<1000xf32>
    %broadcast_in_dim3A_34 = vector.shape_cast %reduce_sum3A_33 : vector<1000xf32> to vector<1000x1xf32>
    %div3A_35 = arith.constant 1.280000e+02 : f32
    %div3A_36 = vector.broadcast %div3A_35 : f32 to vector<1000x1xf32>
    %div3A_37 = arith.divf %broadcast_in_dim3A_34, %div3A_36 : vector<1000x1xf32>
    %sub3A_38 = vector.broadcast %div3A_30 : vector<1000x1xf32> to vector<1000x128xf32>
    %sub3A_39 = arith.subf %add3A_27, %sub3A_38 : vector<1000x128xf32>
    %add3A_40 = arith.constant 9.99999974E-6 : f32
    %add3A_41 = vector.broadcast %add3A_40 : f32 to vector<1000x1xf32>
    %add3A_42 = arith.addf %div3A_37, %add3A_41 : vector<1000x1xf32>
    %rsqrt3A = math.rsqrt %add3A_42 : vector<1000x1xf32>
    %mul3A_43 = vector.broadcast %rsqrt3A : vector<1000x1xf32> to vector<1000x128xf32>
    %mul3A_44 = arith.mulf %sub3A_39, %mul3A_43 : vector<1000x128xf32>
    %get3A_45 = arith.constant 0 : index
    %get3A_46 = arith.constant 0 : index
    %get3A_47 = vector.load %arg6[%get3A_45, %get3A_46] : memref<1x128xf32, #tpu.memory_space<vmem>>, vector<1x128xf32>
    %mul3A_48 = vector.broadcast %get3A_47 : vector<1x128xf32> to vector<1000x128xf32>
    %mul3A_49 = arith.mulf %mul3A_44, %mul3A_48 : vector<1000x128xf32>
    %get3A_50 = arith.constant 0 : index
    %get3A_51 = arith.constant 0 : index
    %get3A_52 = vector.load %arg7[%get3A_50, %get3A_51] : memref<1x128xf32, #tpu.memory_space<vmem>>, vector<1x128xf32>
    %add3A_53 = vector.broadcast %get3A_52 : vector<1x128xf32> to vector<1000x128xf32>
    %add3A_54 = arith.addf %mul3A_49, %add3A_53 : vector<1000x128xf32>
    %get3A_55 = arith.constant 0 : index
    %get3A_56 = arith.constant 0 : index
    %get3A_57 = vector.load %arg8[%get3A_55, %get3A_56] : memref<1000x128xf32, #tpu.memory_space<vmem>>, vector<1000x128xf32>
    %get3A_58 = arith.constant 0 : index
    %get3A_59 = arith.constant 0 : index
    %get3A_60 = vector.load %arg9[%get3A_58, %get3A_59] : memref<384x128xf32, #tpu.memory_space<vmem>>, vector<384x128xf32>
    %dot_general3A = arith.constant dense<0.000000e+00> : vector<1000x384xf32>
    %dot_general3A_61 = tpu.matmul %add3A_54, %get3A_60, %dot_general3A {dimension_numbers = #tpu.dot_dimension_numbers<[1], [1], [0], [0], [0, 0, 1, 0], [], []>, transpose_lhs_hint = false} : vector<1000x128xf32>, vector<384x128xf32>, vector<1000x384xf32> -> vector<1000x384xf32>
    %get3A_62 = arith.constant 0 : index
    %get3A_63 = arith.constant 0 : index
    %get3A_64 = vector.load %arg11[%get3A_62, %get3A_63] : memref<1x384xf32, #tpu.memory_space<vmem>>, vector<1x384xf32>
    %add3A_65 = vector.broadcast %get3A_64 : vector<1x384xf32> to vector<1000x384xf32>
    %add3A_66 = arith.addf %dot_general3A_61, %add3A_65 : vector<1000x384xf32>
    %get3A_67 = arith.constant 0 : index
    %get3A_68 = arith.constant 0 : index
    %get3A_69 = vector.load %arg10[%get3A_67, %get3A_68] : memref<384x128xf32, #tpu.memory_space<vmem>>, vector<384x128xf32>
    %dot_general3A_70 = arith.constant dense<0.000000e+00> : vector<1000x384xf32>
    %dot_general3A_71 = tpu.matmul %get3A_57, %get3A_69, %dot_general3A_70 {dimension_numbers = #tpu.dot_dimension_numbers<[1], [1], [0], [0], [0, 0, 1, 0], [], []>, transpose_lhs_hint = false} : vector<1000x128xf32>, vector<384x128xf32>, vector<1000x384xf32> -> vector<1000x384xf32>
    %get3A_72 = arith.constant 0 : index
    %get3A_73 = arith.constant 0 : index
    %get3A_74 = vector.load %arg12[%get3A_72, %get3A_73] : memref<1x384xf32, #tpu.memory_space<vmem>>, vector<1x384xf32>
    %add3A_75 = vector.broadcast %get3A_74 : vector<1x384xf32> to vector<1000x384xf32>
    %add3A_76 = arith.addf %dot_general3A_71, %add3A_75 : vector<1000x384xf32>
    %slice3A = vector.extract_strided_slice %add3A_66 {offsets = [0, 0], sizes = [1000, 128], strides = [1, 1]} : vector<1000x384xf32> to vector<1000x128xf32>
    %slice3A_77 = vector.extract_strided_slice %add3A_76 {offsets = [0, 0], sizes = [1000, 128], strides = [1, 1]} : vector<1000x384xf32> to vector<1000x128xf32>
    %add3A_78 = arith.addf %slice3A, %slice3A_77 : vector<1000x128xf32>
    %logistic3A = arith.negf %add3A_78 : vector<1000x128xf32>
    %logistic3A_79 = math.exp %logistic3A : vector<1000x128xf32>
    %logistic3A_80 = arith.constant 1.000000e+00 : f32
    %logistic3A_81 = vector.broadcast %logistic3A_80 : f32 to vector<1000x128xf32>
    %logistic3A_82 = arith.addf %logistic3A_81, %logistic3A_79 : vector<1000x128xf32>
    %logistic3A_83 = arith.divf %logistic3A_81, %logistic3A_82 : vector<1000x128xf32>
    %slice3A_84 = vector.extract_strided_slice %add3A_66 {offsets = [0, 128], sizes = [1000, 128], strides = [1, 1]} : vector<1000x384xf32> to vector<1000x128xf32>
    %slice3A_85 = vector.extract_strided_slice %add3A_76 {offsets = [0, 128], sizes = [1000, 128], strides = [1, 1]} : vector<1000x384xf32> to vector<1000x128xf32>
    %add3A_86 = arith.addf %slice3A_84, %slice3A_85 : vector<1000x128xf32>
    %logistic3A_87 = arith.negf %add3A_86 : vector<1000x128xf32>
    %logistic3A_88 = math.exp %logistic3A_87 : vector<1000x128xf32>
    %logistic3A_89 = arith.constant 1.000000e+00 : f32
    %logistic3A_90 = vector.broadcast %logistic3A_89 : f32 to vector<1000x128xf32>
    %logistic3A_91 = arith.addf %logistic3A_90, %logistic3A_88 : vector<1000x128xf32>
    %logistic3A_92 = arith.divf %logistic3A_90, %logistic3A_91 : vector<1000x128xf32>
    %slice3A_93 = vector.extract_strided_slice %add3A_66 {offsets = [0, 256], sizes = [1000, 128], strides = [1, 1]} : vector<1000x384xf32> to vector<1000x128xf32>
    %slice3A_94 = vector.extract_strided_slice %add3A_76 {offsets = [0, 256], sizes = [1000, 128], strides = [1, 1]} : vector<1000x384xf32> to vector<1000x128xf32>
    %mul3A_95 = arith.mulf %logistic3A_83, %slice3A_94 : vector<1000x128xf32>
    %add3A_96 = arith.addf %slice3A_93, %mul3A_95 : vector<1000x128xf32>
    %tanh3A = math.tanh %add3A_96 : vector<1000x128xf32>
    %sub3A_97 = arith.constant 1.000000e+00 : f32
    %sub3A_98 = vector.broadcast %sub3A_97 : f32 to vector<1000x128xf32>
    %sub3A_99 = arith.subf %sub3A_98, %logistic3A_92 : vector<1000x128xf32>
    %mul3A_100 = arith.mulf %sub3A_99, %tanh3A : vector<1000x128xf32>
    %mul3A_101 = arith.mulf %logistic3A_92, %get3A_57 : vector<1000x128xf32>
    %add3A_102 = arith.addf %mul3A_100, %mul3A_101 : vector<1000x128xf32>
    %swap3A = arith.constant 0 : index
    %swap3A_103 = arith.constant 0 : index
    %swap3A_104 = vector.load %arg13[%swap3A, %swap3A_103] : memref<1000x128xf32, #tpu.memory_space<vmem>>, vector<1000x128xf32>
    tpu.vector_store %arg13[%swap3A, %swap3A_103], %add3A_102 {strides = array<i32>} : memref<1000x128xf32, #tpu.memory_space<vmem>>, vector<1000x128xf32>,
    return
  }
  func.func @transform_0(%arg0: i32) -> (i32, i32, i32) {
    %c0_i32 = arith.constant 0 : i32
    %c0_i32_0 = arith.constant 0 : i32
    %c0_i32_1 = arith.constant 0 : i32
    return %c0_i32, %arg0, %c0_i32_0 : i32, i32, i32
  }
  func.func @transform_1(%arg0: i32) -> (i32, i32) {
    %c0_i32 = arith.constant 0 : i32
    %c0_i32_0 = arith.constant 0 : i32
    return %arg0, %c0_i32 : i32, i32
  }
  func.func @transform_2(%arg0: i32) -> (i32, i32) {
    %c0_i32 = arith.constant 0 : i32
    %c0_i32_0 = arith.constant 0 : i32
    return %arg0, %c0_i32 : i32, i32
  }
  func.func @transform_3(%arg0: i32) -> (i32, i32) {
    %c0_i32 = arith.constant 0 : i32
    %c0_i32_0 = arith.constant 0 : i32
    return %arg0, %c0_i32 : i32, i32
  }
  func.func @transform_4(%arg0: i32) -> (i32, i32) {
    %c0_i32 = arith.constant 0 : i32
    %c0_i32_0 = arith.constant 0 : i32
    %c0_i32_1 = arith.constant 0 : i32
    return %c0_i32, %c0_i32_0 : i32, i32
  }
  func.func @transform_5(%arg0: i32) -> (i32, i32) {
    %c0_i32 = arith.constant 0 : i32
    %c0_i32_0 = arith.constant 0 : i32
    %c0_i32_1 = arith.constant 0 : i32
    return %c0_i32, %c0_i32_0 : i32, i32
  }
  func.func @transform_6(%arg0: i32) -> (i32, i32) {
    %c0_i32 = arith.constant 0 : i32
    %c0_i32_0 = arith.constant 0 : i32
    %c0_i32_1 = arith.constant 0 : i32
    return %c0_i32, %c0_i32_0 : i32, i32
  }
  func.func @transform_7(%arg0: i32) -> (i32, i32) {
    %c0_i32 = arith.constant 0 : i32
    %c0_i32_0 = arith.constant 0 : i32
    return %arg0, %c0_i32 : i32, i32
  }
  func.func @transform_8(%arg0: i32) -> (i32, i32) {
    %c0_i32 = arith.constant 0 : i32
    %c0_i32_0 = arith.constant 0 : i32
    %c0_i32_1 = arith.constant 0 : i32
    return %c0_i32, %c0_i32_0 : i32, i32
  }
  func.func @transform_9(%arg0: i32) -> (i32, i32) {
    %c0_i32 = arith.constant 0 : i32
    %c0_i32_0 = arith.constant 0 : i32
    %c0_i32_1 = arith.constant 0 : i32
    return %c0_i32, %c0_i32_0 : i32, i32
  }
  func.func @transform_10(%arg0: i32) -> (i32, i32) {
    %c0_i32 = arith.constant 0 : i32
    %c0_i32_0 = arith.constant 0 : i32
    %c0_i32_1 = arith.constant 0 : i32
    return %c0_i32, %c0_i32_0 : i32, i32
  }
  func.func @transform_11(%arg0: i32) -> (i32, i32) {
    %c0_i32 = arith.constant 0 : i32
    %c0_i32_0 = arith.constant 0 : i32
    %c0_i32_1 = arith.constant 0 : i32
    return %c0_i32, %c0_i32_0 : i32, i32
  }
  func.func @transform_12(%arg0: i32) -> (i32, i32) {
    %c0_i32 = arith.constant 0 : i32
    %c0_i32_0 = arith.constant 0 : i32
    return %arg0, %c0_i32 : i32, i32
  }
}

</mosaic_0001>

<sc_bundles>
// kernel: kernel.12.cloned.1.call-start
scs
__scs_entry_jumppad:
0x0: {  	(pc) =	sbr.rel $0x88, $3  }
0x1: {  	(tag) =	ssettag $0x0;
	lr =	simm.s32 $0x1  }
0x2: {  	[smem:$0x3F94] =	sst lr;
	_ =	strace $0xD0000000  }
0x3: {  	_ = 	snop  }
0x4: {  	_ = 	snop  }
0x5: {  	_ = 	snop  }
0x6: {  	_ = 	snop  }
0x7: {  	_ = 	snop  }
__scs_overlays_trampoline_lowered:
0x8: {  	[smem:$0x3FA3] =	sst s0  }
0x9: {  	[smem:$0x3FA4] =	sst s1  }
0xa: {  	[smem:$0x3FA5] =	sst s2  }
0xb: {  	[smem:$0x3FA6] =	sst s3  }
0xc: {  	[smem:$0x3FA7] =	sst s4  }
0xd: {  	[smem:$0x3FA8] =	sst s5  }
0xe: {  	[smem:$0x3FA9] =	sst s6  }
0xf: {  	[smem:$0x3FAA] =	sst s7  }
0x10: {  	[smem:$0x3FAB] =	sst s8  }
0x11: {  	[smem:$0x3FAC] =	sst s9;
	s0 =	simm.s32 @!p0 $0x0  }
0x12: {  	s1 =	sld [smem:$0x3F92];
	s0 =	simm.s32 @p0 $0x1  }
0x13: {  	[smem:$0x3FAD] =	sst s0;
	s0 =	simm.s32 @!p1 $0x0  }
0x14: {  	s2 =	sld [smem:$0x3F91];
	s0 =	simm.s32 @p1 $0x1  }
0x15: {  	[smem:$0x3FAE] =	sst s0;
	s0 =	simm.s32 @!p2 $0x0  }
0x16: {  	s3 =	sld [smem:$0x3FDB];
	s0 =	simm.s32 @p2 $0x1  }
0x17: {  	s4 =	simm.s32 $0x1BF5;
	[smem:$0x3FB0] =	sst s0  }
0x18: {  	s0 =	sld [smem:$0x3F93];
	_ =	swait.ge [sflag:s4], $0x0  }
0x19: {  	s7 =	sld [smem:$0x3F94]  }
0x1a: {  	s8 =	sadd.s32 $0xFFFFE003, lr  }
0x1b: {  	s9 =	sadd.s32 $0xFFFFFEF7, lr;
	s5 =	simm.s32 $0xFFFFFFFF;
	p2 =	slt.u32 s8, $0xFFFFF086  }
0x1c: {  	p1 =	slt.u32 s9, $0xF7A;
	s5 =	simm.s32 @!p2 $0x0  }
0x1d: {  	s5 =	simm.s32 @p1 $0x1;
	p0 =	seq.s32 s7, s2  }
0x1e: {  	s7 =	smul.u32 @!p0 $0xF7A, s2;
	p2 =	seq.s32 @!p0 s5, $0x0  }
0x1f: {  	s9 =	smul.u32 $0xF7A, s1;
	s8 =	simm.s32 @!p0 $0x1BF5;
	p2 =	por !p2, p0  }
0x20: {  	[sflag:s8] =	ssyncset.s32 @!p0 $0xFFFFF086;
	s6 =	sadd.s32 @!p0 s3, s7;
	s7 =	simm.s32 @!p0 $0x108  }
0x21: {  	s3 =	sadd.s32 s3, s9;
	s6 =	sadd.s32 @!p0 $0x88, s6;
	s7 =	simm.s32 @p2 $0x1082  }
0x22: {  	[simem:s7], [sflag:s8] =	dma.local @!p0 [hbm:s6], $0xF7A  }
0x23: {  	s9 =	sor.u32 $0xD0000000, s2;
	s6 =	simm.s32 $0x108;
	_ =	swait.ge @!p0 [sflag:s8], $0x0  }
0x24: {  	s3 =	sadd.s32 $0x88, s3;
	s6 =	simm.s32 @!p1 $0x1082;
	[sflag:s4] =	ssyncset.s32 $0xFFFFF086  }
0x25: {  	[simem:s6], [sflag:s4] =	dma.local [hbm:s3], $0xF7A  }
0x26: {  	[smem:$0x3F94] =	sst s1;
	(tag) =	ssettag s2;
	_ =	strace s9  }
0x27: {  	s1 =	sld [smem:$0x3FA4]  }
0x28: {  	s2 =	sld [smem:$0x3FA5]  }
0x29: {  	s4 =	sld [smem:$0x3FA7]  }
0x2a: {  	p0 =	seq.s32 s5, $0x0;
	s5 =	sld [smem:$0x3FA8]  }
0x2b: {  	s6 =	sld [smem:$0x3FA9]  }
0x2c: {  	s7 =	sld [smem:$0x3FAA]  }
0x2d: {  	s3 =	simm.s32 $0x108;
	s8 =	sld [smem:$0x3FAB]  }
0x2e: {  	s3 =	simm.s32 @!p0 $0x1082;
	s9 =	sld [smem:$0x3FAC]  }
0x2f: {  	lr =	sadd.s32 s0, s3;
	s0 =	sld [smem:$0x3FA3]  }
0x30: {  	s3 =	sld [smem:$0x3FA6]  }
0x31: {  	[smem:$0x3FAF] =	sst s10  }
0x32: {  	s10 =	sld [smem:$0x3FAD];
	_ =	sdelay $0x3  }
0x33: {  	p0 =	seq.s32 s10, $0x1;
	s10 =	sld [smem:$0x3FAF];
	_ =	sdelay $0x3  }
0x34: {  	[smem:$0x3FAF] =	sst s10  }
0x35: {  	s10 =	sld [smem:$0x3FAE];
	_ =	sdelay $0x3  }
0x36: {  	p1 =	seq.s32 s10, $0x1;
	s10 =	sld [smem:$0x3FAF];
	_ =	sdelay $0x3  }
0x37: {  	[smem:$0x3FAF] =	sst s10  }
0x38: {  	s10 =	sld [smem:$0x3FB0]  }
0x39: {  	_ = 	snop;
	(pc) =	sbr.ind lr, $3  }
0x3a: {  	_ = 	snop  }
0x3b: {  	_ = 	snop  }
0x3c: {  	p2 =	seq.s32 s10, $0x1;
	s10 =	sld [smem:$0x3FAF]  }
0x3d: {  	_ =	shalt  }
0x3e: {  	_ =	shalt  }
0x3f: {  	_ =	shalt  }
0x40: {  	_ =	shalt  }
0x41: {  	_ =	shalt  }
0x42: {  	_ =	shalt  }
0x43: {  	_ =	shalt  }
0x44: {  	_ =	shalt  }
0x45: {  	_ =	shalt  }
0x46: {  	_ =	shalt  }
0x47: {  	_ =	shalt  }
0x48: {  	_ =	shalt  }
0x49: {  	_ =	shalt  }
0x4a: {  	_ =	shalt  }
0x4b: {  	_ =	shalt  }
0x4c: {  	_ =	shalt  }
0x4d: {  	_ =	shalt  }
0x4e: {  	_ =	shalt  }
0x4f: {  	_ =	shalt  }
0x50: {  	_ =	shalt  }
0x51: {  	_ =	shalt  }
0x52: {  	_ =	shalt  }
0x53: {  	_ =	shalt  }
0x54: {  	_ =	shalt  }
0x55: {  	_ =	shalt  }
0x56: {  	_ =	shalt  }
0x57: {  	_ =	shalt  }
0x58: {  	_ =	shalt  }
0x59: {  	_ =	shalt  }
0x5a: {  	_ =	shalt  }
0x5b: {  	_ =	shalt  }
0x5c: {  	_ =	shalt  }
0x5d: {  	_ =	shalt  }
0x5e: {  	_ =	shalt  }
0x5f: {  	_ =	shalt  }
0x60: {  	_ =	shalt  }
0x61: {  	_ =	shalt  }
0x62: {  	_ =	shalt  }
0x63: {  	_ =	shalt  }
0x64: {  	_ =	shalt  }
0x65: {  	_ =	shalt  }
0x66: {  	_ =	shalt  }
0x67: {  	_ =	shalt  }
0x68: {  	_ =	shalt  }
0x69: {  	_ =	shalt  }
0x6a: {  	_ =	shalt  }
0x6b: {  	_ =	shalt  }
0x6c: {  	_ =	shalt  }
0x6d: {  	_ =	shalt  }
0x6e: {  	_ =	shalt  }
0x6f: {  	_ =	shalt  }
0x70: {  	_ =	shalt  }
0x71: {  	_ =	shalt  }
0x72: {  	_ =	shalt  }
0x73: {  	_ =	shalt  }
0x74: {  	_ =	shalt  }
0x75: {  	_ =	shalt  }
0x76: {  	_ =	shalt  }
0x77: {  	_ =	shalt  }
0x78: {  	_ =	shalt  }
0x79: {  	_ =	shalt  }
0x7a: {  	_ =	shalt  }
0x7b: {  	_ =	shalt  }
0x7c: {  	_ =	shalt  }
0x7d: {  	_ =	shalt  }
0x7e: {  	_ =	shalt  }
0x7f: {  	_ =	shalt  }
0x80: {  	_ =	shalt  }
0x81: {  	_ =	shalt  }
0x82: {  	_ =	shalt  }
0x83: {  	_ =	shalt  }
0x84: {  	_ =	shalt  }
0x85: {  	_ =	shalt  }
0x86: {  	_ =	shalt  }
0x87: {  	_ =	shalt  }
.Lfunc_end0:
.L_simem_size_0:
called_computation.1_lowered:
.L_overlay_start_0:
0x88: {  	s2 =	sld [smem:$0x3FD9]  }
0x89: {  	s3 =	sld [smem:$0x3FFE];
	_ =	sdelay $0x1  }
0x8a: {  	s1 =	srdreg.scid  }
0x8b: {  	s0 =	sand.u32 $0x1, s1  }
0x8c: {  	s14 =	sshll.u32 s0, $0xA;
	s2 =	sadd.s32 s3, s2  }
0x8d: {  	s2 =	sadd.s32 s2, s14  }
0x8e: {  	[smem:$0x3FBB] =	sst s2  }
0x8f: {  	_ = 	snop  }
0x90: {  	s2 =	sld [smem:$0x3FD0];
	_ =	sdelay $0x2  }
0x91: {  	s15 =	simm.s32 $0xA;
	s4 =	simm.s32 $0x10  }
0x92: {  	[smem:s4], [sflag:s15] =	dma.local [hbm:s2], $0x1  }
0x93: {  	_ =	swait.eq [sflag:s15], $0x1  }
0x94: {  	[sflag:s15] =	ssyncset.done $0x0  }
0x95: {  	s16 =	sld [smem:$0x10];
	[sflag:s15] =	ssyncadd.s32 $0xFFFFFFFF  }
0x96: {  	s17 =	sld [smem:$0x11];
	(tm) =	ssettm $0x1  }
0x97: {  	s18 =	sld [smem:$0x3FFB];
	_ =	sdelay $0x3  }
0x98: {  	_ =	strace s18  }
0x99: {  	s4 =	sld [smem:$0x3FFC];
	_ =	sdelay $0x3  }
0x9a: {  	_ =	strace s4  }
0x9b: {  	s4 =	sld [smem:$0x3FFD];
	_ =	sdelay $0x3  }
0x9c: {  	_ =	strace s4  }
0x9d: {  	_ =	strace $0x8FFFFFFF  }
0x9e: {  	s19 =	sld [smem:$0x3FDB];
	_ =	sdelay $0x1  }
0x9f: {  	s5 =	simm.s32 $_scs_section_size  }
0xa0: {  	s6 =	simm.s32 $_size__tile_overlayer_lowered;
	s7 =	simm.s32 $_tile_overlayer_lowered  }
0xa1: {  	s22 =	simm.s32 $0x1BFF;
	s21 =	sshll.u32 s7, $0x1;
	s4 =	sadd.s32 s5, s19  }
0xa2: {  	s8 =	simm.s32 $0x0;
	s20 =	sshll.u32 s6, $0x1;
	s6 =	sadd.s32 s21, s4  }
0xa3: {  	[timem:s8], [sflag:s22] =	dma.local [hbm:s6], s20  }
0xa4: {  	_ =	swait.ge [sflag:s22], s20  }
0xa5: {  	s5 =	ssub.s32 $0x0, s20;
	[sflag:s22] =	ssyncset.done $0x0  }
0xa6: {  	[sflag:s22] =	ssyncadd.s32 s5;
	_ =	sdelay $0x1  }
0xa7: {  	s23 =	simm.s32 $0x1B8B  }
0xa8: {  	_ =	swait.ge [sflag:s23], $0x1  }
0xa9: {  	[sflag:s23] =	ssyncset.done $0x0  }
0xaa: {  	s25 =	simm.s32 $0x1B8E;
	s24 =	sld [smem:$0x3FFE];
	[sflag:s23] =	ssyncadd.s32 $0xFFFFFFFF  }
0xab: {  	s26 =	simm.s32 $execute0_lowered;
	[smem:$0x3FD2] =	sst s25  }
0xac: {  	s6 =	sshll.u32 s26, $0x1;
	_ =	strace $0x80000049;
	[dreg:$0x1] =	wrdreg $0xFFFFFFFF  }
0xad: {  	s28 =	simm.s32 $_size_execute0_lowered;
	s4 =	sadd.s32 s4, s6;
	[dreg:$0x0] =	wrdreg $0x0  }
0xae: {  	s6 =	sshll.u32 s28, $0x1;
	[dreg:$0x2] =	wrdreg s4  }
0xaf: {  	[dreg:$0x3] =	wrdreg s6  }
0xb0: {  	[dreg:$0x4] =	wrdreg $0xC0  }
0xb1: {  	_ =	task [dreg:s8], $0x5FFFF  }
0xb2: {  	[dreg:$0x1] =	wrdreg $0xFFFFFFFF  }
0xb3: {  	[dreg:$0x0] =	wrdreg $0x60  }
0xb4: {  	[dreg:$0x2] =	wrdreg s17  }
0xb5: {  	[dreg:$0x3] =	wrdreg s24  }
0xb6: {  	[dreg:$0x4] =	wrdreg s16  }
0xb7: {  	[dreg:$0x5] =	wrdreg $0xA8000  }
0xb8: {  	[dreg:$0x6] =	wrdreg $0x9  }
0xb9: {  	_ =	task.clear_ibuf [dreg:s8], $0x7FFFF;
	_ =	strace $0x90000049  }
0xba: {  	s29 =	simm.s32 $0x9;
	_ =	strace $0x8000004B  }
0xbb: {  	_ =	swait.ge [sflag:s29], $0x1  }
0xbc: {  	[sflag:s29] =	ssyncadd.s32 $0xFFFFFFFF  }
0xbd: {  	_ =	strace $0x9000004B  }
0xbe: {  	_ =	sfence  }
0xbf: {  	s30 =	sld [smem:$0x0];
	_ =	sdelay $0x2  }
0xc0: {  	s31 =	sshll.u32 s1, $0xD;
	s1 =	sshrl.u32 s1, $0x2  }
0xc1: {  	s3 =	sand.u32 $0x4000, s31;
	s1 =	sadd.s32 s1, s30  }
0xc2: {  	s0 =	sor.u32 s3, s0;
	s1 =	sshll.u32 s1, $0x11  }
0xc3: {  	s0 =	sor.u32 s1, s0  }
0xc4: {  	s0 =	sadd.s32 $0x8F2B, s0  }
0xc5: {  	[sflag:s0] =	ssyncadd.remote.s32 $0x1  }
0xc6: {  	_ =	sfence.sel $0xFFFF  }
0xc7: {  	[dreg:$0x0] =	wrdreg $0xFFFFFFFF;
	(pc) =	sbr.abs _section_cstart, $3  }
0xc8: {  	[dreg:$0x1] =	wrdreg $0xFFFFFFFF  }
0xc9: {  	_ =	task.clear_ibuf [dreg:s8], $0x2FFFF;
	_ =	strace $0x9FFFFFFF  }
0xca: {  	(tm) =	ssettm $0x7FFFFFFF  }
0xcb: {  	_ =	shalt  }
tec
execute0_lowered:
.L_overlay_start_1:
0x0: {  	(tag) =	ssettag $0x1  }
0x1: {  	s1 =	rddreg [dreg:$0x0]  }
0x2: {  	s6 =	rddreg [dreg:$0x1]  }
0x3: {  	s7 =	rddreg [dreg:$0x2]  }
0x4: {  	s2 =	rddreg [dreg:$0x3]  }
0x5: {  	s0 =	rddreg [dreg:$0x4];
	s4 =	simm.s32 $0x0;
	s3 =	srdreg.scid  }
0x6: {  	s14 =	simm.s32 $0x50;
	s15 =	simm.s32 $0x8000;
	s16 =	simm.s32 $0x1  }
0x7: {  	s17 =	simm.s32 $0x0;
	[smem:$0x7FF] =	sst s4;
	s5 =	sand.u32 $0x1, s3  }
0x8: {  	s3 =	stileid.u32;
	s8 =	smul.u32 $0x140000, s5;
	s9 =	sshll.u32 s5, $0xF  }
0x9: {  	s10 =	sshll.u32 s3, $0xB;
	s11 =	smul.u32 $0x14000, s3;
	_ =	strace $0x8000004A  }
0xa: {  	s29 =	ssub.s32 $0x2, s5;
	s13 =	smul.u32 $0x50000, s3;
	s5 =	sadd.s32 $0x3600, s6  }
0xb: {  	s31 =	sshll.u32 s3, $0x6;
	s9 =	sor.u32 s10, s9;
	s12 =	sshrl.u32 s29, $0x1  }
0xc: {  	s10 =	sadd.s32 s9, s6;
	s8 =	sadd.s32 s11, s8;
	s11 =	ssub.s32 s29, s12  }
0xd: {  	s7 =	sadd.s32 s7, s9;
	s30 =	sshrl.u32 s13, $0x2;
	s12 =	sor.u32 $0x1C02, s31  }
0xe: {  	s8 =	sshrl.u32 s8, $0x3;
	s13 =	sadd.s32 s30, s2;
	s9 =	smax.u32 s11, $0x1  }
0xf: {  	s11 =	simm.s32 $0x4000;
	s8 =	sadd.s32 s8, s6;
	s6 =	sadd.s32 $0x53C00, s10  }
0x10: {  	s10 =	simm.s32 $0x2;
	s13 =	sshrl.u32 s13, $0x3;
	s8 =	sadd.s32 $0x63C00, s8  }
.LBB2_1:
0x11: {  	[tilespmem:s4], [sflag:$0x2] =	stream.linear.gather [hbm4b:s6+s4], $0x3E80, $0x38;
	[tilespmem:$0x1E800] =	vst v63  }
0x12: {  	_ =	swait.ge [sflag:s10], $0x3E80  }
0x13: {  	[sflag:s10] =	ssyncset.done $0x0  }
0x14: {  	[sflag:s10] =	ssyncadd.s32 $0xFFFFC180  }
0x15: {  	[tilespmem:s11], [sflag:$0x2] =	stream.linear.gather [hbm4b:s7+s4], $0x3E80, $0x38;
	[tilespmem:$0x1E800] =	vst v63  }
0x16: {  	_ =	swait.ge [sflag:s10], $0x3E80  }
0x17: {  	[sflag:s10] =	ssyncset.done $0x0  }
0x18: {  	[sflag:s10] =	ssyncadd.s32 $0xFFFFC180  }
0x19: {  	[spmem:s13], [sflag:s12] =	dma.local [hbm:s5], $0x2800  }
0x1a: {  	_ =	swait.ge [sflag:s10], $0x2800  }
0x1b: {  	[sflag:s10] =	ssyncset.done $0x0  }
0x1c: {  	[sflag:s10] =	ssyncadd.s32 $0xFFFFD800  }
0x1d: {  	s18 =	simm.s32 $0x0;
	[bflag:$0x0] =	sbarrier.arrive $0xFFFF  }
0x1e: {  	[tilespmem:s15], [sflag:$0x1] =	stream.indirect.gather [hbm4b:s1+s14], $0x80, s18, s14, $0xb8;
	[tilespmem:$0x1E800] =	vst v63  }
0x1f: {  	_ =	swait.ge [sflag:s16], $0x2800  }
0x20: {  	[sflag:s16] =	ssyncset.done $0x0  }
0x21: {  	s31 =	simm.s32 $0x4000;
	[sflag:s16] =	ssyncadd.s32 $0xFFFFD800  }
0x22: {  	[spmem:s2] =	stream.indirect.scatter.add.f32 [tilespmem:s15], [sflag:$0x2], $0x80, s31, s14, $0xb8;
	[tilespmem:$0x1E800] =	vst v63  }
0x23: {  	_ =	swait.ge [sflag:s10], $0x2800  }
0x24: {  	s19 =	simm.s32 $0x400;
	s18 =	simm.s32 $0x200;
	[sflag:s10] =	ssyncset.done $0x0  }
.LBB2_2:
0x25: {  	s20 =	sshra.s32 s18, $0x2  }
0x26: {  	[sflag:s10] =	ssyncadd.s32 $0xFFFFD800;
	s18 =	smov.u32 s19;
	s21 =	sadd.s32 $0x200, s19  }
0x27: {  	[tilespmem:s15], [sflag:$0x1] =	stream.indirect.gather [hbm4b:s1+s14], $0x80, s20, s14, $0xb8;
	[tilespmem:$0x1E800] =	vst v63  }
0x28: {  	p0 =	sne.s32 s19, $0xF800;
	_ =	swait.ge [sflag:s16], $0x2800  }
.Ltmp0:
0x29: {  	[sflag:s16] =	ssyncset.done $0x0;
	(pc) =	sbr.rel @p0 .LBB2_2-.Ltmp0, $4  }
0x2a: {  	s19 =	sadd.s32 $0x4000, s20;
	[sflag:s16] =	ssyncadd.s32 $0xFFFFD800  }
0x2b: {  	[spmem:s2] =	stream.indirect.scatter.add.f32 [tilespmem:s15], [sflag:$0x2], $0x80, s19, s14, $0xb8;
	[tilespmem:$0x1E800] =	vst v63  }
0x2c: {  	_ =	swait.ge [sflag:s10], $0x2800  }
0x2d: {  	s19 =	smov.u32 s21;
	[sflag:s10] =	ssyncset.done $0x0  }
0x2e: {  	s18 =	sshra.s32 s18, $0x2;
	[sflag:s10] =	ssyncadd.s32 $0xFFFFD800  }
0x2f: {  	[tilespmem:s15], [sflag:$0x1] =	stream.indirect.gather [hbm4b:s1+s14], $0x80, s18, s14, $0xb8;
	[tilespmem:$0x1E800] =	vst v63  }
0x30: {  	_ =	swait.ge [sflag:s16], $0x2800  }
0x31: {  	[sflag:s16] =	ssyncset.done $0x0  }
0x32: {  	s18 =	sadd.s32 $0x4000, s18;
	[sflag:s16] =	ssyncadd.s32 $0xFFFFD800  }
0x33: {  	[spmem:s2] =	stream.indirect.scatter.add.f32 [tilespmem:s15], [sflag:$0x2], $0x80, s18, s14, $0xb8;
	[tilespmem:$0x1E800] =	vst v63  }
0x34: {  	_ =	swait.ge [sflag:s10], $0x2800  }
0x35: {  	s17 =	sadd.s32 $0x1, s17;
	[sflag:s10] =	ssyncset.done $0x0  }
0x36: {  	p0 =	sne.s32 s17, s9;
	[sflag:s10] =	ssyncadd.s32 $0xFFFFD800  }
.Ltmp1:
0x37: {  	[bflag:$0x0] =	sbarrier.arrive $0xFFFF;
	(pc) =	sbr.rel @p0 .LBB2_1-.Ltmp1, $4  }
0x38: {  	[hbm:s8], [sflag:s12] =	dma.local [spmem:s13], $0x2800  }
0x39: {  	_ =	swait.ge [sflag:s10], $0x2800  }
0x3a: {  	[sflag:s10] =	ssyncset.done $0x0  }
0x3b: {  	[sflag:s10] =	ssyncadd.s32 $0xFFFFD800  }
0x3c: {  	_ =	sfence.sel $0x180000  }
0x3d: {  	[bflag:$0x0] =	sbarrier.arrive $0xFFFF  }
0x3e: {  	p0 =	sne.s32 s3, $0x0;
	_ =	strace $0x9000004A  }
0x3f: {  	s0 =	sadd.s32 @!p0 $0x100000, s0;
	[bflag:$0x2] =	sbarrier.arrive $0xFFFF  }
0x40: {  	[sflag:s0] =	ssyncadd.tile.s32 @!p0 $0x1;
	_ =	shalt  }
.Lfunc_end2:
_tile_overlayer_lowered:
.L_overlay_start_2:
0x41: {  	(tag) =	ssettag $0x2  }
0x42: {  	s0 =	rddreg [dreg:$0x0];
	s2 =	stileid.u32  }
0x43: {  	s1 =	rddreg [dreg:$0x1];
	p0 =	sne.s32 s2, $0x0  }
0x44: {  	s3 =	rddreg [dreg:$0x2];
	[bflag:$0x3] =	sbarrier.arrive $0xFFFF;
	s2 =	simm.s32 @!p0 $0x1C02  }
0x45: {  	[timem:s3], [sflag:s2] =	dma.local @!p0 [hbm:s0], s1  }
0x46: {  	s0 =	simm.s32 @!p0 $0x2  }
0x47: {  	_ =	swait.ge @!p0 [sflag:s0], s1  }
0x48: {  	s1 =	ssub.s32 @!p0 $0x0, s1;
	[sflag:s0] =	ssyncset.done @!p0 $0x0  }
0x49: {  	[sflag:s0] =	ssyncadd.s32 @!p0 s1  }
0x4a: {  	[bflag:$0x3] =	sbarrier.arrive $0xFFFF  }
0x4b: {  	_ =	shalt  }

// kernel: kernel.15.cloned.1.call-start
scs
__scs_entry_jumppad:
0x0: {  	(pc) =	sbr.rel $0x88, $3  }
0x1: {  	(tag) =	ssettag $0x0;
	lr =	simm.s32 $0x1  }
0x2: {  	[smem:$0x3F94] =	sst lr;
	_ =	strace $0xD0000000  }
0x3: {  	_ = 	snop  }
0x4: {  	_ = 	snop  }
0x5: {  	_ = 	snop  }
0x6: {  	_ = 	snop  }
0x7: {  	_ = 	snop  }
__scs_overlays_trampoline_lowered:
0x8: {  	[smem:$0x3FA3] =	sst s0  }
0x9: {  	[smem:$0x3FA4] =	sst s1  }
0xa: {  	[smem:$0x3FA5] =	sst s2  }
0xb: {  	[smem:$0x3FA6] =	sst s3  }
0xc: {  	[smem:$0x3FA7] =	sst s4  }
0xd: {  	[smem:$0x3FA8] =	sst s5  }
0xe: {  	[smem:$0x3FA9] =	sst s6  }
0xf: {  	[smem:$0x3FAA] =	sst s7  }
0x10: {  	[smem:$0x3FAB] =	sst s8  }
0x11: {  	[smem:$0x3FAC] =	sst s9;
	s0 =	simm.s32 @!p0 $0x0  }
0x12: {  	s1 =	sld [smem:$0x3F92];
	s0 =	simm.s32 @p0 $0x1  }
0x13: {  	[smem:$0x3FAD] =	sst s0;
	s0 =	simm.s32 @!p1 $0x0  }
0x14: {  	s2 =	sld [smem:$0x3F91];
	s0 =	simm.s32 @p1 $0x1  }
0x15: {  	[smem:$0x3FAE] =	sst s0;
	s0 =	simm.s32 @!p2 $0x0  }
0x16: {  	s3 =	sld [smem:$0x3FDB];
	s0 =	simm.s32 @p2 $0x1  }
0x17: {  	s4 =	simm.s32 $0x1BF5;
	[smem:$0x3FB0] =	sst s0  }
0x18: {  	s0 =	sld [smem:$0x3F93];
	_ =	swait.ge [sflag:s4], $0x0  }
0x19: {  	s7 =	sld [smem:$0x3F94]  }
0x1a: {  	s8 =	sadd.s32 $0xFFFFE003, lr  }
0x1b: {  	s9 =	sadd.s32 $0xFFFFFEF7, lr;
	s5 =	simm.s32 $0xFFFFFFFF;
	p2 =	slt.u32 s8, $0xFFFFF086  }
0x1c: {  	p1 =	slt.u32 s9, $0xF7A;
	s5 =	simm.s32 @!p2 $0x0  }
0x1d: {  	s5 =	simm.s32 @p1 $0x1;
	p0 =	seq.s32 s7, s2  }
0x1e: {  	s7 =	smul.u32 @!p0 $0xF7A, s2;
	p2 =	seq.s32 @!p0 s5, $0x0  }
0x1f: {  	s9 =	smul.u32 $0xF7A, s1;
	s8 =	simm.s32 @!p0 $0x1BF5;
	p2 =	por !p2, p0  }
0x20: {  	[sflag:s8] =	ssyncset.s32 @!p0 $0xFFFFF086;
	s6 =	sadd.s32 @!p0 s3, s7;
	s7 =	simm.s32 @!p0 $0x108  }
0x21: {  	s3 =	sadd.s32 s3, s9;
	s6 =	sadd.s32 @!p0 $0x88, s6;
	s7 =	simm.s32 @p2 $0x1082  }
0x22: {  	[simem:s7], [sflag:s8] =	dma.local @!p0 [hbm:s6], $0xF7A  }
0x23: {  	s9 =	sor.u32 $0xD0000000, s2;
	s6 =	simm.s32 $0x108;
	_ =	swait.ge @!p0 [sflag:s8], $0x0  }
0x24: {  	s3 =	sadd.s32 $0x88, s3;
	s6 =	simm.s32 @!p1 $0x1082;
	[sflag:s4] =	ssyncset.s32 $0xFFFFF086  }
0x25: {  	[simem:s6], [sflag:s4] =	dma.local [hbm:s3], $0xF7A  }
0x26: {  	[smem:$0x3F94] =	sst s1;
	(tag) =	ssettag s2;
	_ =	strace s9  }
0x27: {  	s1 =	sld [smem:$0x3FA4]  }
0x28: {  	s2 =	sld [smem:$0x3FA5]  }
0x29: {  	s4 =	sld [smem:$0x3FA7]  }
0x2a: {  	p0 =	seq.s32 s5, $0x0;
	s5 =	sld [smem:$0x3FA8]  }
0x2b: {  	s6 =	sld [smem:$0x3FA9]  }
0x2c: {  	s7 =	sld [smem:$0x3FAA]  }
0x2d: {  	s3 =	simm.s32 $0x108;
	s8 =	sld [smem:$0x3FAB]  }
0x2e: {  	s3 =	simm.s32 @!p0 $0x1082;
	s9 =	sld [smem:$0x3FAC]  }
0x2f: {  	lr =	sadd.s32 s0, s3;
	s0 =	sld [smem:$0x3FA3]  }
0x30: {  	s3 =	sld [smem:$0x3FA6]  }
0x31: {  	[smem:$0x3FAF] =	sst s10  }
0x32: {  	s10 =	sld [smem:$0x3FAD];
	_ =	sdelay $0x3  }
0x33: {  	p0 =	seq.s32 s10, $0x1;
	s10 =	sld [smem:$0x3FAF];
	_ =	sdelay $0x3  }
0x34: {  	[smem:$0x3FAF] =	sst s10  }
0x35: {  	s10 =	sld [smem:$0x3FAE];
	_ =	sdelay $0x3  }
0x36: {  	p1 =	seq.s32 s10, $0x1;
	s10 =	sld [smem:$0x3FAF];
	_ =	sdelay $0x3  }
0x37: {  	[smem:$0x3FAF] =	sst s10  }
0x38: {  	s10 =	sld [smem:$0x3FB0]  }
0x39: {  	_ = 	snop;
	(pc) =	sbr.ind lr, $3  }
0x3a: {  	_ = 	snop  }
0x3b: {  	_ = 	snop  }
0x3c: {  	p2 =	seq.s32 s10, $0x1;
	s10 =	sld [smem:$0x3FAF]  }
0x3d: {  	_ =	shalt  }
0x3e: {  	_ =	shalt  }
0x3f: {  	_ =	shalt  }
0x40: {  	_ =	shalt  }
0x41: {  	_ =	shalt  }
0x42: {  	_ =	shalt  }
0x43: {  	_ =	shalt  }
0x44: {  	_ =	shalt  }
0x45: {  	_ =	shalt  }
0x46: {  	_ =	shalt  }
0x47: {  	_ =	shalt  }
0x48: {  	_ =	shalt  }
0x49: {  	_ =	shalt  }
0x4a: {  	_ =	shalt  }
0x4b: {  	_ =	shalt  }
0x4c: {  	_ =	shalt  }
0x4d: {  	_ =	shalt  }
0x4e: {  	_ =	shalt  }
0x4f: {  	_ =	shalt  }
0x50: {  	_ =	shalt  }
0x51: {  	_ =	shalt  }
0x52: {  	_ =	shalt  }
0x53: {  	_ =	shalt  }
0x54: {  	_ =	shalt  }
0x55: {  	_ =	shalt  }
0x56: {  	_ =	shalt  }
0x57: {  	_ =	shalt  }
0x58: {  	_ =	shalt  }
0x59: {  	_ =	shalt  }
0x5a: {  	_ =	shalt  }
0x5b: {  	_ =	shalt  }
0x5c: {  	_ =	shalt  }
0x5d: {  	_ =	shalt  }
0x5e: {  	_ =	shalt  }
0x5f: {  	_ =	shalt  }
0x60: {  	_ =	shalt  }
0x61: {  	_ =	shalt  }
0x62: {  	_ =	shalt  }
0x63: {  	_ =	shalt  }
0x64: {  	_ =	shalt  }
0x65: {  	_ =	shalt  }
0x66: {  	_ =	shalt  }
0x67: {  	_ =	shalt  }
0x68: {  	_ =	shalt  }
0x69: {  	_ =	shalt  }
0x6a: {  	_ =	shalt  }
0x6b: {  	_ =	shalt  }
0x6c: {  	_ =	shalt  }
0x6d: {  	_ =	shalt  }
0x6e: {  	_ =	shalt  }
0x6f: {  	_ =	shalt  }
0x70: {  	_ =	shalt  }
0x71: {  	_ =	shalt  }
0x72: {  	_ =	shalt  }
0x73: {  	_ =	shalt  }
0x74: {  	_ =	shalt  }
0x75: {  	_ =	shalt  }
0x76: {  	_ =	shalt  }
0x77: {  	_ =	shalt  }
0x78: {  	_ =	shalt  }
0x79: {  	_ =	shalt  }
0x7a: {  	_ =	shalt  }
0x7b: {  	_ =	shalt  }
0x7c: {  	_ =	shalt  }
0x7d: {  	_ =	shalt  }
0x7e: {  	_ =	shalt  }
0x7f: {  	_ =	shalt  }
0x80: {  	_ =	shalt  }
0x81: {  	_ =	shalt  }
0x82: {  	_ =	shalt  }
0x83: {  	_ =	shalt  }
0x84: {  	_ =	shalt  }
0x85: {  	_ =	shalt  }
0x86: {  	_ =	shalt  }
0x87: {  	_ =	shalt  }
.Lfunc_end0:
.L_simem_size_0:
called_computation.2_lowered:
.L_overlay_start_0:
0x88: {  	s2 =	sld [smem:$0x3FD9]  }
0x89: {  	s3 =	sld [smem:$0x3FFE];
	_ =	sdelay $0x1  }
0x8a: {  	s1 =	srdreg.scid  }
0x8b: {  	s0 =	sand.u32 $0x1, s1  }
0x8c: {  	s14 =	sshll.u32 s0, $0xA;
	s2 =	sadd.s32 s3, s2  }
0x8d: {  	s2 =	sadd.s32 s2, s14  }
0x8e: {  	[smem:$0x3FBB] =	sst s2  }
0x8f: {  	_ = 	snop  }
0x90: {  	s2 =	sld [smem:$0x3FD0];
	_ =	sdelay $0x2  }
0x91: {  	s15 =	simm.s32 $0xA;
	s4 =	simm.s32 $0x10  }
0x92: {  	[smem:s4], [sflag:s15] =	dma.local [hbm:s2], $0x1  }
0x93: {  	_ =	swait.eq [sflag:s15], $0x1  }
0x94: {  	[sflag:s15] =	ssyncset.done $0x0  }
0x95: {  	s16 =	sld [smem:$0x10];
	[sflag:s15] =	ssyncadd.s32 $0xFFFFFFFF  }
0x96: {  	s17 =	sld [smem:$0x11];
	(tm) =	ssettm $0x1  }
0x97: {  	s18 =	sld [smem:$0x3FFB];
	_ =	sdelay $0x3  }
0x98: {  	_ =	strace s18  }
0x99: {  	s4 =	sld [smem:$0x3FFC];
	_ =	sdelay $0x3  }
0x9a: {  	_ =	strace s4  }
0x9b: {  	s4 =	sld [smem:$0x3FFD];
	_ =	sdelay $0x3  }
0x9c: {  	_ =	strace s4  }
0x9d: {  	_ =	strace $0x8FFFFFFF  }
0x9e: {  	s19 =	sld [smem:$0x3FDB];
	_ =	sdelay $0x1  }
0x9f: {  	s5 =	simm.s32 $_scs_section_size  }
0xa0: {  	s6 =	simm.s32 $_size__tile_overlayer_lowered;
	s7 =	simm.s32 $_tile_overlayer_lowered  }
0xa1: {  	s22 =	simm.s32 $0x1BFF;
	s21 =	sshll.u32 s7, $0x1;
	s4 =	sadd.s32 s5, s19  }
0xa2: {  	s8 =	simm.s32 $0x0;
	s20 =	sshll.u32 s6, $0x1;
	s6 =	sadd.s32 s21, s4  }
0xa3: {  	[timem:s8], [sflag:s22] =	dma.local [hbm:s6], s20  }
0xa4: {  	_ =	swait.ge [sflag:s22], s20  }
0xa5: {  	s5 =	ssub.s32 $0x0, s20;
	[sflag:s22] =	ssyncset.done $0x0  }
0xa6: {  	[sflag:s22] =	ssyncadd.s32 s5;
	_ =	sdelay $0x1  }
0xa7: {  	s23 =	simm.s32 $0x1B8B  }
0xa8: {  	_ =	swait.ge [sflag:s23], $0x1  }
0xa9: {  	[sflag:s23] =	ssyncset.done $0x0  }
0xaa: {  	s25 =	simm.s32 $0x1B8E;
	s24 =	sld [smem:$0x3FFE];
	[sflag:s23] =	ssyncadd.s32 $0xFFFFFFFF  }
0xab: {  	s26 =	simm.s32 $execute0_lowered;
	[smem:$0x3FD2] =	sst s25  }
0xac: {  	s6 =	sshll.u32 s26, $0x1;
	_ =	strace $0x8000004C;
	[dreg:$0x1] =	wrdreg $0xFFFFFFFF  }
0xad: {  	s28 =	simm.s32 $_size_execute0_lowered;
	s4 =	sadd.s32 s4, s6;
	[dreg:$0x0] =	wrdreg $0x0  }
0xae: {  	s6 =	sshll.u32 s28, $0x1;
	[dreg:$0x2] =	wrdreg s4  }
0xaf: {  	[dreg:$0x3] =	wrdreg s6  }
0xb0: {  	[dreg:$0x4] =	wrdreg $0xC0  }
0xb1: {  	_ =	task [dreg:s8], $0x5FFFF  }
0xb2: {  	[dreg:$0x1] =	wrdreg $0xFFFFFFFF  }
0xb3: {  	[dreg:$0x0] =	wrdreg $0x60  }
0xb4: {  	[dreg:$0x2] =	wrdreg s17  }
0xb5: {  	[dreg:$0x3] =	wrdreg s24  }
0xb6: {  	[dreg:$0x4] =	wrdreg s16  }
0xb7: {  	[dreg:$0x5] =	wrdreg $0xA8000  }
0xb8: {  	[dreg:$0x6] =	wrdreg $0x9  }
0xb9: {  	_ =	task.clear_ibuf [dreg:s8], $0x7FFFF;
	_ =	strace $0x9000004C  }
0xba: {  	s29 =	simm.s32 $0x9;
	_ =	strace $0x8000004E  }
0xbb: {  	_ =	swait.ge [sflag:s29], $0x1  }
0xbc: {  	[sflag:s29] =	ssyncadd.s32 $0xFFFFFFFF  }
0xbd: {  	_ =	strace $0x9000004E  }
0xbe: {  	_ =	sfence  }
0xbf: {  	s30 =	sld [smem:$0x0];
	_ =	sdelay $0x2  }
0xc0: {  	s31 =	sshll.u32 s1, $0xD;
	s1 =	sshrl.u32 s1, $0x2  }
0xc1: {  	s3 =	sand.u32 $0x4000, s31;
	s1 =	sadd.s32 s1, s30  }
0xc2: {  	s0 =	sor.u32 s3, s0;
	s1 =	sshll.u32 s1, $0x11  }
0xc3: {  	s0 =	sor.u32 s1, s0  }
0xc4: {  	s0 =	sadd.s32 $0x8F2B, s0  }
0xc5: {  	[sflag:s0] =	ssyncadd.remote.s32 $0x1  }
0xc6: {  	_ =	sfence.sel $0xFFFF  }
0xc7: {  	[dreg:$0x0] =	wrdreg $0xFFFFFFFF;
	(pc) =	sbr.abs _section_cstart, $3  }
0xc8: {  	[dreg:$0x1] =	wrdreg $0xFFFFFFFF  }
0xc9: {  	_ =	task.clear_ibuf [dreg:s8], $0x2FFFF;
	_ =	strace $0x9FFFFFFF  }
0xca: {  	(tm) =	ssettm $0x7FFFFFFF  }
0xcb: {  	_ =	shalt  }
tec
execute0_lowered:
.L_overlay_start_1:
0x0: {  	(tag) =	ssettag $0x1  }
0x1: {  	s1 =	rddreg [dreg:$0x0]  }
0x2: {  	s6 =	rddreg [dreg:$0x1]  }
0x3: {  	s7 =	rddreg [dreg:$0x2]  }
0x4: {  	s2 =	rddreg [dreg:$0x3]  }
0x5: {  	s0 =	rddreg [dreg:$0x4];
	s4 =	simm.s32 $0x0;
	s3 =	srdreg.scid  }
0x6: {  	s14 =	simm.s32 $0x50;
	s15 =	simm.s32 $0x8000;
	s16 =	simm.s32 $0x1  }
0x7: {  	s17 =	simm.s32 $0x0;
	[smem:$0x7FF] =	sst s4;
	s5 =	sand.u32 $0x1, s3  }
0x8: {  	s3 =	stileid.u32;
	s8 =	smul.u32 $0x140000, s5;
	s9 =	sshll.u32 s5, $0xF  }
0x9: {  	s10 =	sshll.u32 s3, $0xB;
	s11 =	smul.u32 $0x14000, s3;
	_ =	strace $0x8000004D  }
0xa: {  	s29 =	ssub.s32 $0x2, s5;
	s13 =	smul.u32 $0x50000, s3;
	s5 =	sadd.s32 $0x3600, s6  }
0xb: {  	s31 =	sshll.u32 s3, $0x6;
	s9 =	sor.u32 s10, s9;
	s12 =	sshrl.u32 s29, $0x1  }
0xc: {  	s10 =	sadd.s32 s9, s6;
	s8 =	sadd.s32 s11, s8;
	s11 =	ssub.s32 s29, s12  }
0xd: {  	s7 =	sadd.s32 s7, s9;
	s30 =	sshrl.u32 s13, $0x2;
	s12 =	sor.u32 $0x1C02, s31  }
0xe: {  	s8 =	sshrl.u32 s8, $0x3;
	s13 =	sadd.s32 s30, s2;
	s9 =	smax.u32 s11, $0x1  }
0xf: {  	s11 =	simm.s32 $0x4000;
	s8 =	sadd.s32 s8, s6;
	s6 =	sadd.s32 $0x53C00, s10  }
0x10: {  	s10 =	simm.s32 $0x2;
	s13 =	sshrl.u32 s13, $0x3;
	s8 =	sadd.s32 $0x63C00, s8  }
.LBB2_1:
0x11: {  	[tilespmem:s4], [sflag:$0x2] =	stream.linear.gather [hbm4b:s6+s4], $0x3E80, $0x38;
	[tilespmem:$0x1E800] =	vst v63  }
0x12: {  	_ =	swait.ge [sflag:s10], $0x3E80  }
0x13: {  	[sflag:s10] =	ssyncset.done $0x0  }
0x14: {  	[sflag:s10] =	ssyncadd.s32 $0xFFFFC180  }
0x15: {  	[tilespmem:s11], [sflag:$0x2] =	stream.linear.gather [hbm4b:s7+s4], $0x3E80, $0x38;
	[tilespmem:$0x1E800] =	vst v63  }
0x16: {  	_ =	swait.ge [sflag:s10], $0x3E80  }
0x17: {  	[sflag:s10] =	ssyncset.done $0x0  }
0x18: {  	[sflag:s10] =	ssyncadd.s32 $0xFFFFC180  }
0x19: {  	[spmem:s13], [sflag:s12] =	dma.local [hbm:s5], $0x2800  }
0x1a: {  	_ =	swait.ge [sflag:s10], $0x2800  }
0x1b: {  	[sflag:s10] =	ssyncset.done $0x0  }
0x1c: {  	[sflag:s10] =	ssyncadd.s32 $0xFFFFD800  }
0x1d: {  	s18 =	simm.s32 $0x0;
	[bflag:$0x0] =	sbarrier.arrive $0xFFFF  }
0x1e: {  	[tilespmem:s15], [sflag:$0x1] =	stream.indirect.gather [hbm4b:s1+s14], $0x80, s18, s14, $0xb8;
	[tilespmem:$0x1E800] =	vst v63  }
0x1f: {  	_ =	swait.ge [sflag:s16], $0x2800  }
0x20: {  	[sflag:s16] =	ssyncset.done $0x0  }
0x21: {  	s31 =	simm.s32 $0x4000;
	[sflag:s16] =	ssyncadd.s32 $0xFFFFD800  }
0x22: {  	[spmem:s2] =	stream.indirect.scatter.add.f32 [tilespmem:s15], [sflag:$0x2], $0x80, s31, s14, $0xb8;
	[tilespmem:$0x1E800] =	vst v63  }
0x23: {  	_ =	swait.ge [sflag:s10], $0x2800  }
0x24: {  	s19 =	simm.s32 $0x400;
	s18 =	simm.s32 $0x200;
	[sflag:s10] =	ssyncset.done $0x0  }
.LBB2_2:
0x25: {  	s20 =	sshra.s32 s18, $0x2  }
0x26: {  	[sflag:s10] =	ssyncadd.s32 $0xFFFFD800;
	s18 =	smov.u32 s19;
	s21 =	sadd.s32 $0x200, s19  }
0x27: {  	[tilespmem:s15], [sflag:$0x1] =	stream.indirect.gather [hbm4b:s1+s14], $0x80, s20, s14, $0xb8;
	[tilespmem:$0x1E800] =	vst v63  }
0x28: {  	p0 =	sne.s32 s19, $0xF800;
	_ =	swait.ge [sflag:s16], $0x2800  }
.Ltmp0:
0x29: {  	[sflag:s16] =	ssyncset.done $0x0;
	(pc) =	sbr.rel @p0 .LBB2_2-.Ltmp0, $4  }
0x2a: {  	s19 =	sadd.s32 $0x4000, s20;
	[sflag:s16] =	ssyncadd.s32 $0xFFFFD800  }
0x2b: {  	[spmem:s2] =	stream.indirect.scatter.add.f32 [tilespmem:s15], [sflag:$0x2], $0x80, s19, s14, $0xb8;
	[tilespmem:$0x1E800] =	vst v63  }
0x2c: {  	_ =	swait.ge [sflag:s10], $0x2800  }
0x2d: {  	s19 =	smov.u32 s21;
	[sflag:s10] =	ssyncset.done $0x0  }
0x2e: {  	s18 =	sshra.s32 s18, $0x2;
	[sflag:s10] =	ssyncadd.s32 $0xFFFFD800  }
0x2f: {  	[tilespmem:s15], [sflag:$0x1] =	stream.indirect.gather [hbm4b:s1+s14], $0x80, s18, s14, $0xb8;
	[tilespmem:$0x1E800] =	vst v63  }
0x30: {  	_ =	swait.ge [sflag:s16], $0x2800  }
0x31: {  	[sflag:s16] =	ssyncset.done $0x0  }
0x32: {  	s18 =	sadd.s32 $0x4000, s18;
	[sflag:s16] =	ssyncadd.s32 $0xFFFFD800  }
0x33: {  	[spmem:s2] =	stream.indirect.scatter.add.f32 [tilespmem:s15], [sflag:$0x2], $0x80, s18, s14, $0xb8;
	[tilespmem:$0x1E800] =	vst v63  }
0x34: {  	_ =	swait.ge [sflag:s10], $0x2800  }
0x35: {  	s17 =	sadd.s32 $0x1, s17;
	[sflag:s10] =	ssyncset.done $0x0  }
0x36: {  	p0 =	sne.s32 s17, s9;
	[sflag:s10] =	ssyncadd.s32 $0xFFFFD800  }
.Ltmp1:
0x37: {  	[bflag:$0x0] =	sbarrier.arrive $0xFFFF;
	(pc) =	sbr.rel @p0 .LBB2_1-.Ltmp1, $4  }
0x38: {  	[hbm:s8], [sflag:s12] =	dma.local [spmem:s13], $0x2800  }
0x39: {  	_ =	swait.ge [sflag:s10], $0x2800  }
0x3a: {  	[sflag:s10] =	ssyncset.done $0x0  }
0x3b: {  	[sflag:s10] =	ssyncadd.s32 $0xFFFFD800  }
0x3c: {  	_ =	sfence.sel $0x180000  }
0x3d: {  	[bflag:$0x0] =	sbarrier.arrive $0xFFFF  }
0x3e: {  	p0 =	sne.s32 s3, $0x0;
	_ =	strace $0x9000004D  }
0x3f: {  	s0 =	sadd.s32 @!p0 $0x100000, s0;
	[bflag:$0x2] =	sbarrier.arrive $0xFFFF  }
0x40: {  	[sflag:s0] =	ssyncadd.tile.s32 @!p0 $0x1;
	_ =	shalt  }
.Lfunc_end2:
_tile_overlayer_lowered:
.L_overlay_start_2:
0x41: {  	(tag) =	ssettag $0x2  }
0x42: {  	s0 =	rddreg [dreg:$0x0];
	s2 =	stileid.u32  }
0x43: {  	s1 =	rddreg [dreg:$0x1];
	p0 =	sne.s32 s2, $0x0  }
0x44: {  	s3 =	rddreg [dreg:$0x2];
	[bflag:$0x3] =	sbarrier.arrive $0xFFFF;
	s2 =	simm.s32 @!p0 $0x1C02  }
0x45: {  	[timem:s3], [sflag:s2] =	dma.local @!p0 [hbm:s0], s1  }
0x46: {  	s0 =	simm.s32 @!p0 $0x2  }
0x47: {  	_ =	swait.ge @!p0 [sflag:s0], s1  }
0x48: {  	s1 =	ssub.s32 @!p0 $0x0, s1;
	[sflag:s0] =	ssyncset.done @!p0 $0x0  }
0x49: {  	[sflag:s0] =	ssyncadd.s32 @!p0 s1  }
0x4a: {  	[bflag:$0x3] =	sbarrier.arrive $0xFFFF  }
0x4b: {  	_ =	shalt  }

// kernel: kernel.9.cloned.1.call-start
scs
__scs_entry_jumppad:
0x0: {  	(pc) =	sbr.rel $0x88, $3  }
0x1: {  	(tag) =	ssettag $0x0;
	lr =	simm.s32 $0x1  }
0x2: {  	[smem:$0x3F94] =	sst lr;
	_ =	strace $0xD0000000  }
0x3: {  	_ = 	snop  }
0x4: {  	_ = 	snop  }
0x5: {  	_ = 	snop  }
0x6: {  	_ = 	snop  }
0x7: {  	_ = 	snop  }
__scs_overlays_trampoline_lowered:
0x8: {  	[smem:$0x3FA3] =	sst s0  }
0x9: {  	[smem:$0x3FA4] =	sst s1  }
0xa: {  	[smem:$0x3FA5] =	sst s2  }
0xb: {  	[smem:$0x3FA6] =	sst s3  }
0xc: {  	[smem:$0x3FA7] =	sst s4  }
0xd: {  	[smem:$0x3FA8] =	sst s5  }
0xe: {  	[smem:$0x3FA9] =	sst s6  }
0xf: {  	[smem:$0x3FAA] =	sst s7  }
0x10: {  	[smem:$0x3FAB] =	sst s8  }
0x11: {  	[smem:$0x3FAC] =	sst s9;
	s0 =	simm.s32 @!p0 $0x0  }
0x12: {  	s1 =	sld [smem:$0x3F92];
	s0 =	simm.s32 @p0 $0x1  }
0x13: {  	[smem:$0x3FAD] =	sst s0;
	s0 =	simm.s32 @!p1 $0x0  }
0x14: {  	s2 =	sld [smem:$0x3F91];
	s0 =	simm.s32 @p1 $0x1  }
0x15: {  	[smem:$0x3FAE] =	sst s0;
	s0 =	simm.s32 @!p2 $0x0  }
0x16: {  	s3 =	sld [smem:$0x3FDB];
	s0 =	simm.s32 @p2 $0x1  }
0x17: {  	s4 =	simm.s32 $0x1BF5;
	[smem:$0x3FB0] =	sst s0  }
0x18: {  	s0 =	sld [smem:$0x3F93];
	_ =	swait.ge [sflag:s4], $0x0  }
0x19: {  	s7 =	sld [smem:$0x3F94]  }
0x1a: {  	s8 =	sadd.s32 $0xFFFFE003, lr  }
0x1b: {  	s9 =	sadd.s32 $0xFFFFFEF7, lr;
	s5 =	simm.s32 $0xFFFFFFFF;
	p2 =	slt.u32 s8, $0xFFFFF086  }
0x1c: {  	p1 =	slt.u32 s9, $0xF7A;
	s5 =	simm.s32 @!p2 $0x0  }
0x1d: {  	s5 =	simm.s32 @p1 $0x1;
	p0 =	seq.s32 s7, s2  }
0x1e: {  	s7 =	smul.u32 @!p0 $0xF7A, s2;
	p2 =	seq.s32 @!p0 s5, $0x0  }
0x1f: {  	s9 =	smul.u32 $0xF7A, s1;
	s8 =	simm.s32 @!p0 $0x1BF5;
	p2 =	por !p2, p0  }
0x20: {  	[sflag:s8] =	ssyncset.s32 @!p0 $0xFFFFF086;
	s6 =	sadd.s32 @!p0 s3, s7;
	s7 =	simm.s32 @!p0 $0x108  }
0x21: {  	s3 =	sadd.s32 s3, s9;
	s6 =	sadd.s32 @!p0 $0x88, s6;
	s7 =	simm.s32 @p2 $0x1082  }
0x22: {  	[simem:s7], [sflag:s8] =	dma.local @!p0 [hbm:s6], $0xF7A  }
0x23: {  	s9 =	sor.u32 $0xD0000000, s2;
	s6 =	simm.s32 $0x108;
	_ =	swait.ge @!p0 [sflag:s8], $0x0  }
0x24: {  	s3 =	sadd.s32 $0x88, s3;
	s6 =	simm.s32 @!p1 $0x1082;
	[sflag:s4] =	ssyncset.s32 $0xFFFFF086  }
0x25: {  	[simem:s6], [sflag:s4] =	dma.local [hbm:s3], $0xF7A  }
0x26: {  	[smem:$0x3F94] =	sst s1;
	(tag) =	ssettag s2;
	_ =	strace s9  }
0x27: {  	s1 =	sld [smem:$0x3FA4]  }
0x28: {  	s2 =	sld [smem:$0x3FA5]  }
0x29: {  	s4 =	sld [smem:$0x3FA7]  }
0x2a: {  	p0 =	seq.s32 s5, $0x0;
	s5 =	sld [smem:$0x3FA8]  }
0x2b: {  	s6 =	sld [smem:$0x3FA9]  }
0x2c: {  	s7 =	sld [smem:$0x3FAA]  }
0x2d: {  	s3 =	simm.s32 $0x108;
	s8 =	sld [smem:$0x3FAB]  }
0x2e: {  	s3 =	simm.s32 @!p0 $0x1082;
	s9 =	sld [smem:$0x3FAC]  }
0x2f: {  	lr =	sadd.s32 s0, s3;
	s0 =	sld [smem:$0x3FA3]  }
0x30: {  	s3 =	sld [smem:$0x3FA6]  }
0x31: {  	[smem:$0x3FAF] =	sst s10  }
0x32: {  	s10 =	sld [smem:$0x3FAD];
	_ =	sdelay $0x3  }
0x33: {  	p0 =	seq.s32 s10, $0x1;
	s10 =	sld [smem:$0x3FAF];
	_ =	sdelay $0x3  }
0x34: {  	[smem:$0x3FAF] =	sst s10  }
0x35: {  	s10 =	sld [smem:$0x3FAE];
	_ =	sdelay $0x3  }
0x36: {  	p1 =	seq.s32 s10, $0x1;
	s10 =	sld [smem:$0x3FAF];
	_ =	sdelay $0x3  }
0x37: {  	[smem:$0x3FAF] =	sst s10  }
0x38: {  	s10 =	sld [smem:$0x3FB0]  }
0x39: {  	_ = 	snop;
	(pc) =	sbr.ind lr, $3  }
0x3a: {  	_ = 	snop  }
0x3b: {  	_ = 	snop  }
0x3c: {  	p2 =	seq.s32 s10, $0x1;
	s10 =	sld [smem:$0x3FAF]  }
0x3d: {  	_ =	shalt  }
0x3e: {  	_ =	shalt  }
0x3f: {  	_ =	shalt  }
0x40: {  	_ =	shalt  }
0x41: {  	_ =	shalt  }
0x42: {  	_ =	shalt  }
0x43: {  	_ =	shalt  }
0x44: {  	_ =	shalt  }
0x45: {  	_ =	shalt  }
0x46: {  	_ =	shalt  }
0x47: {  	_ =	shalt  }
0x48: {  	_ =	shalt  }
0x49: {  	_ =	shalt  }
0x4a: {  	_ =	shalt  }
0x4b: {  	_ =	shalt  }
0x4c: {  	_ =	shalt  }
0x4d: {  	_ =	shalt  }
0x4e: {  	_ =	shalt  }
0x4f: {  	_ =	shalt  }
0x50: {  	_ =	shalt  }
0x51: {  	_ =	shalt  }
0x52: {  	_ =	shalt  }
0x53: {  	_ =	shalt  }
0x54: {  	_ =	shalt  }
0x55: {  	_ =	shalt  }
0x56: {  	_ =	shalt  }
0x57: {  	_ =	shalt  }
0x58: {  	_ =	shalt  }
0x59: {  	_ =	shalt  }
0x5a: {  	_ =	shalt  }
0x5b: {  	_ =	shalt  }
0x5c: {  	_ =	shalt  }
0x5d: {  	_ =	shalt  }
0x5e: {  	_ =	shalt  }
0x5f: {  	_ =	shalt  }
0x60: {  	_ =	shalt  }
0x61: {  	_ =	shalt  }
0x62: {  	_ =	shalt  }
0x63: {  	_ =	shalt  }
0x64: {  	_ =	shalt  }
0x65: {  	_ =	shalt  }
0x66: {  	_ =	shalt  }
0x67: {  	_ =	shalt  }
0x68: {  	_ =	shalt  }
0x69: {  	_ =	shalt  }
0x6a: {  	_ =	shalt  }
0x6b: {  	_ =	shalt  }
0x6c: {  	_ =	shalt  }
0x6d: {  	_ =	shalt  }
0x6e: {  	_ =	shalt  }
0x6f: {  	_ =	shalt  }
0x70: {  	_ =	shalt  }
0x71: {  	_ =	shalt  }
0x72: {  	_ =	shalt  }
0x73: {  	_ =	shalt  }
0x74: {  	_ =	shalt  }
0x75: {  	_ =	shalt  }
0x76: {  	_ =	shalt  }
0x77: {  	_ =	shalt  }
0x78: {  	_ =	shalt  }
0x79: {  	_ =	shalt  }
0x7a: {  	_ =	shalt  }
0x7b: {  	_ =	shalt  }
0x7c: {  	_ =	shalt  }
0x7d: {  	_ =	shalt  }
0x7e: {  	_ =	shalt  }
0x7f: {  	_ =	shalt  }
0x80: {  	_ =	shalt  }
0x81: {  	_ =	shalt  }
0x82: {  	_ =	shalt  }
0x83: {  	_ =	shalt  }
0x84: {  	_ =	shalt  }
0x85: {  	_ =	shalt  }
0x86: {  	_ =	shalt  }
0x87: {  	_ =	shalt  }
.Lfunc_end0:
.L_simem_size_0:
called_computation_lowered:
.L_overlay_start_0:
0x88: {  	s2 =	sld [smem:$0x3FD9]  }
0x89: {  	s3 =	sld [smem:$0x3FFE];
	_ =	sdelay $0x1  }
0x8a: {  	s1 =	srdreg.scid  }
0x8b: {  	s0 =	sand.u32 $0x1, s1  }
0x8c: {  	s14 =	sshll.u32 s0, $0xA;
	s2 =	sadd.s32 s3, s2  }
0x8d: {  	s2 =	sadd.s32 s2, s14  }
0x8e: {  	[smem:$0x3FBB] =	sst s2  }
0x8f: {  	_ = 	snop  }
0x90: {  	s2 =	sld [smem:$0x3FD0];
	_ =	sdelay $0x2  }
0x91: {  	s15 =	simm.s32 $0xA;
	s4 =	simm.s32 $0x10  }
0x92: {  	[smem:s4], [sflag:s15] =	dma.local [hbm:s2], $0x1  }
0x93: {  	_ =	swait.eq [sflag:s15], $0x1  }
0x94: {  	[sflag:s15] =	ssyncset.done $0x0  }
0x95: {  	s16 =	sld [smem:$0x10];
	[sflag:s15] =	ssyncadd.s32 $0xFFFFFFFF  }
0x96: {  	s17 =	sld [smem:$0x11];
	(tm) =	ssettm $0x1  }
0x97: {  	s18 =	sld [smem:$0x3FFB];
	_ =	sdelay $0x3  }
0x98: {  	_ =	strace s18  }
0x99: {  	s4 =	sld [smem:$0x3FFC];
	_ =	sdelay $0x3  }
0x9a: {  	_ =	strace s4  }
0x9b: {  	s4 =	sld [smem:$0x3FFD];
	_ =	sdelay $0x3  }
0x9c: {  	_ =	strace s4  }
0x9d: {  	_ =	strace $0x8FFFFFFF  }
0x9e: {  	s19 =	sld [smem:$0x3FDB];
	_ =	sdelay $0x1  }
0x9f: {  	s5 =	simm.s32 $_scs_section_size  }
0xa0: {  	s6 =	simm.s32 $_size__tile_overlayer_lowered;
	s7 =	simm.s32 $_tile_overlayer_lowered  }
0xa1: {  	s22 =	simm.s32 $0x1BFF;
	s21 =	sshll.u32 s7, $0x1;
	s4 =	sadd.s32 s5, s19  }
0xa2: {  	s8 =	simm.s32 $0x0;
	s20 =	sshll.u32 s6, $0x1;
	s6 =	sadd.s32 s21, s4  }
0xa3: {  	[timem:s8], [sflag:s22] =	dma.local [hbm:s6], s20  }
0xa4: {  	_ =	swait.ge [sflag:s22], s20  }
0xa5: {  	s5 =	ssub.s32 $0x0, s20;
	[sflag:s22] =	ssyncset.done $0x0  }
0xa6: {  	[sflag:s22] =	ssyncadd.s32 s5;
	_ =	sdelay $0x1  }
0xa7: {  	s23 =	simm.s32 $0x1B8B  }
0xa8: {  	_ =	swait.ge [sflag:s23], $0x1  }
0xa9: {  	[sflag:s23] =	ssyncset.done $0x0  }
0xaa: {  	s25 =	simm.s32 $0x1B8E;
	s24 =	sld [smem:$0x3FFE];
	[sflag:s23] =	ssyncadd.s32 $0xFFFFFFFF  }
0xab: {  	s26 =	simm.s32 $execute0_lowered;
	[smem:$0x3FD2] =	sst s25  }
0xac: {  	s6 =	sshll.u32 s26, $0x1;
	_ =	strace $0x80000046;
	[dreg:$0x1] =	wrdreg $0xFFFFFFFF  }
0xad: {  	s28 =	simm.s32 $_size_execute0_lowered;
	s4 =	sadd.s32 s4, s6;
	[dreg:$0x0] =	wrdreg $0x0  }
0xae: {  	s6 =	sshll.u32 s28, $0x1;
	[dreg:$0x2] =	wrdreg s4  }
0xaf: {  	[dreg:$0x3] =	wrdreg s6  }
0xb0: {  	[dreg:$0x4] =	wrdreg $0xC0  }
0xb1: {  	_ =	task [dreg:s8], $0x5FFFF  }
0xb2: {  	[dreg:$0x1] =	wrdreg $0xFFFFFFFF  }
0xb3: {  	[dreg:$0x0] =	wrdreg $0x60  }
0xb4: {  	[dreg:$0x2] =	wrdreg s16  }
0xb5: {  	[dreg:$0x3] =	wrdreg s24  }
0xb6: {  	[dreg:$0x4] =	wrdreg s17  }
0xb7: {  	[dreg:$0x5] =	wrdreg $0x68000  }
0xb8: {  	[dreg:$0x6] =	wrdreg $0x9  }
0xb9: {  	_ =	task.clear_ibuf [dreg:s8], $0x7FFFF;
	_ =	strace $0x90000046  }
0xba: {  	s29 =	simm.s32 $0x9;
	_ =	strace $0x80000048  }
0xbb: {  	_ =	swait.ge [sflag:s29], $0x1  }
0xbc: {  	[sflag:s29] =	ssyncadd.s32 $0xFFFFFFFF  }
0xbd: {  	_ =	strace $0x90000048  }
0xbe: {  	_ =	sfence  }
0xbf: {  	s30 =	sld [smem:$0x0];
	_ =	sdelay $0x2  }
0xc0: {  	s31 =	sshll.u32 s1, $0xD;
	s1 =	sshrl.u32 s1, $0x2  }
0xc1: {  	s3 =	sand.u32 $0x4000, s31;
	s1 =	sadd.s32 s1, s30  }
0xc2: {  	s0 =	sor.u32 s3, s0;
	s1 =	sshll.u32 s1, $0x11  }
0xc3: {  	s0 =	sor.u32 s1, s0  }
0xc4: {  	s0 =	sadd.s32 $0x8F2B, s0  }
0xc5: {  	[sflag:s0] =	ssyncadd.remote.s32 $0x1  }
0xc6: {  	_ =	sfence.sel $0xFFFF  }
0xc7: {  	[dreg:$0x0] =	wrdreg $0xFFFFFFFF;
	(pc) =	sbr.abs _section_cstart, $3  }
0xc8: {  	[dreg:$0x1] =	wrdreg $0xFFFFFFFF  }
0xc9: {  	_ =	task.clear_ibuf [dreg:s8], $0x2FFFF;
	_ =	strace $0x9FFFFFFF  }
0xca: {  	(tm) =	ssettm $0x7FFFFFFF  }
0xcb: {  	_ =	shalt  }
tec
execute0_lowered:
.L_overlay_start_1:
0x0: {  	(tag) =	ssettag $0x1  }
0x1: {  	s6 =	rddreg [dreg:$0x0]  }
0x2: {  	s7 =	rddreg [dreg:$0x1]  }
0x3: {  	s2 =	rddreg [dreg:$0x2];
	s0 =	srdreg.scid  }
0x4: {  	s3 =	rddreg [dreg:$0x3];
	s1 =	stileid.u32  }
0x5: {  	s4 =	simm.s32 $0x0;
	s13 =	simm.s32 $0x50;
	s14 =	simm.s32 $0x0  }
0x6: {  	s8 =	sand.u32 $0x1, s0;
	s0 =	rddreg [dreg:$0x4];
	s10 =	smul.u32 $0x14000, s1  }
0x7: {  	[smem:$0x7FF] =	sst s4;
	s5 =	sadd.s32 $0x3600, s7;
	s11 =	smul.u32 $0x50000, s1  }
0x8: {  	s12 =	sshll.u32 s1, $0xB;
	s31 =	sshll.u32 s1, $0x6;
	s9 =	smul.u32 $0x140000, s8  }
0x9: {  	_ =	strace $0x80000047;
	s28 =	ssub.s32 $0x2, s8;
	s8 =	sshll.u32 s8, $0xF  }
0xa: {  	s6 =	sadd.s32 s6, s12;
	s29 =	sshrl.u32 s28, $0x1;
	s11 =	sshrl.u32 s11, $0x2  }
0xb: {  	s6 =	sadd.s32 s8, s6;
	s9 =	sadd.s32 s10, s9;
	s30 =	sadd.s32 s11, s3  }
0xc: {  	s10 =	simm.s32 $0x4000;
	s11 =	sor.u32 $0x1C01, s31;
	s9 =	sshrl.u32 s9, $0x3  }
0xd: {  	s12 =	sshrl.u32 s30, $0x3;
	s7 =	sadd.s32 s9, s7;
	s9 =	ssub.s32 s28, s29  }
0xe: {  	s7 =	sadd.s32 $0x3C00, s7;
	s8 =	smax.u32 s9, $0x1;
	s9 =	simm.s32 $0x1  }
.LBB2_1:
0xf: {  	[tilespmem:s4], [sflag:$0x1] =	stream.linear.gather [hbm4b:s6+s4], $0x3E80, $0x38;
	[tilespmem:$0x9000] =	vst v63  }
0x10: {  	_ =	swait.ge [sflag:s9], $0x3E80  }
0x11: {  	[sflag:s9] =	ssyncset.done $0x0  }
0x12: {  	[sflag:s9] =	ssyncadd.s32 $0xFFFFC180  }
0x13: {  	[tilespmem:s10], [sflag:$0x1] =	stream.linear.gather [hbm4b:s5+s4], $0x2800, $0x38;
	[tilespmem:$0x9000] =	vst v63  }
0x14: {  	_ =	swait.ge [sflag:s9], $0x2800  }
0x15: {  	[sflag:s9] =	ssyncset.done $0x0  }
0x16: {  	[sflag:s9] =	ssyncadd.s32 $0xFFFFD800  }
0x17: {  	[spmem:s12], [sflag:s11] =	dma.local [hbm:s2], $0x2800  }
0x18: {  	_ =	swait.ge [sflag:s9], $0x2800  }
0x19: {  	[sflag:s9] =	ssyncset.done $0x0  }
0x1a: {  	[sflag:s9] =	ssyncadd.s32 $0xFFFFD800  }
0x1b: {  	s15 =	simm.s32 $0x0;
	[bflag:$0x0] =	sbarrier.arrive $0xFFFF  }
0x1c: {  	[spmem:s3] =	stream.indirect.scatter.add.f32 [tilespmem:s10], [sflag:$0x1], $0x10, s15, s13, $0xb8;
	[tilespmem:$0x9000] =	vst v63  }
0x1d: {  	_ =	swait.ge [sflag:s9], $0x500  }
0x1e: {  	s15 =	simm.s32 $0x200;
	[sflag:s9] =	ssyncset.done $0x0  }
.LBB2_2:
0x1f: {  	s16 =	sshra.s32 s15, $0x2;
	[sflag:s9] =	ssyncadd.s32 $0xFFFFFB00;
	p0 =	sne.s32 s15, $0xF800  }
0x20: {  	[spmem:s3] =	stream.indirect.scatter.add.f32 [tilespmem:s10], [sflag:$0x1], $0x10, s16, s13, $0xb8;
	[tilespmem:$0x9000] =	vst v63  }
.Ltmp0:
0x21: {  	_ = 	snop;
	(pc) =	sbr.rel @p0 .LBB2_2-.Ltmp0, $4  }
0x22: {  	_ = 	snop  }
0x23: {  	s15 =	sadd.s32 $0x200, s15  }
0x24: {  	_ =	swait.ge [sflag:s9], $0x500  }
0x25: {  	[sflag:s9] =	ssyncset.done $0x0  }
0x26: {  	s14 =	sadd.s32 $0x1, s14  }
0x27: {  	[sflag:s9] =	ssyncadd.s32 $0xFFFFFB00;
	p0 =	sne.s32 s14, s8  }
.Ltmp1:
0x28: {  	[bflag:$0x0] =	sbarrier.arrive $0xFFFF;
	(pc) =	sbr.rel @p0 .LBB2_1-.Ltmp1, $4  }
0x29: {  	[hbm:s7], [sflag:s11] =	dma.local [spmem:s12], $0x2800  }
0x2a: {  	_ =	swait.ge [sflag:s9], $0x2800  }
0x2b: {  	[sflag:s9] =	ssyncset.done $0x0  }
0x2c: {  	[sflag:s9] =	ssyncadd.s32 $0xFFFFD800  }
0x2d: {  	_ =	sfence.sel $0x180000  }
0x2e: {  	[bflag:$0x0] =	sbarrier.arrive $0xFFFF  }
0x2f: {  	p0 =	sne.s32 s1, $0x0;
	_ =	strace $0x90000047  }
0x30: {  	s0 =	sadd.s32 @!p0 $0x100000, s0;
	[bflag:$0x2] =	sbarrier.arrive $0xFFFF  }
0x31: {  	[sflag:s0] =	ssyncadd.tile.s32 @!p0 $0x1;
	_ =	shalt  }
.Lfunc_end2:
_tile_overlayer_lowered:
.L_overlay_start_2:
0x32: {  	(tag) =	ssettag $0x2  }
0x33: {  	s0 =	rddreg [dreg:$0x0];
	s2 =	stileid.u32  }
0x34: {  	s1 =	rddreg [dreg:$0x1];
	p0 =	sne.s32 s2, $0x0  }
0x35: {  	s3 =	rddreg [dreg:$0x2];
	[bflag:$0x3] =	sbarrier.arrive $0xFFFF;
	s2 =	simm.s32 @!p0 $0x1C01  }
0x36: {  	[timem:s3], [sflag:s2] =	dma.local @!p0 [hbm:s0], s1  }
0x37: {  	s0 =	simm.s32 @!p0 $0x1  }
0x38: {  	_ =	swait.ge @!p0 [sflag:s0], s1  }
0x39: {  	s1 =	ssub.s32 @!p0 $0x0, s1;
	[sflag:s0] =	ssyncset.done @!p0 $0x0  }
0x3a: {  	[sflag:s0] =	ssyncadd.s32 @!p0 s1  }
0x3b: {  	[bflag:$0x3] =	sbarrier.arrive $0xFFFF  }
0x3c: {  	_ =	shalt  }

</sc_bundles>
